<compile_context>
chip_gen: v7x
topology: tpu7x:2x2x1
jax: 0.10.2.dev20260603
libtpu: 0.0.44.dev20260713+nightly
codegen_flags: <defaults>
</compile_context>

<pallas_src>
import functools

import jax
import jax.numpy as jnp
from jax import lax
from jax.experimental import pallas as pl
from jax.experimental.pallas import tpu as pltpu
from jax.experimental.pallas import tpu_sc as plsc

D_MODEL = 64
VOCAB = 1000000
HALF = 524288
NUM_CORES = 2
NUM_SUBCORES = 16
NUM_WORKERS = NUM_CORES * NUM_SUBCORES
CHUNK = 128
NBUF = 4
TBLK = 16384


def _repack_body(wl_ref, wr_ref, out_ref):
    eye = jnp.eye(D_MODEL, dtype=jnp.float32)
    dn = (((0,), (0,)), ((), ()))
    out_ref[:, :D_MODEL] = lax.dot_general(
        wl_ref[...], eye, dn, preferred_element_type=jnp.float32)
    out_ref[:, D_MODEL:] = lax.dot_general(
        wr_ref[...], eye, dn, preferred_element_type=jnp.float32)


def _repack_table(weight_t):
    nleft = HALF // TBLK
    last = (VOCAB - 1) // TBLK
    return pl.pallas_call(
        _repack_body,
        grid=(nleft,),
        in_specs=[
            pl.BlockSpec((D_MODEL, TBLK), lambda i: (0, i)),
            pl.BlockSpec(
                (D_MODEL, TBLK), lambda i: (0, jnp.minimum(i + nleft, last))
            ),
        ],
        out_specs=pl.BlockSpec((TBLK, 2 * D_MODEL), lambda i: (i, 0)),
        out_shape=jax.ShapeDtypeStruct((HALF, 2 * D_MODEL), jnp.float32),
    )(weight_t, weight_t)


@functools.partial(jax.jit, static_argnums=(2,))
def _gather_sc(idx, table, chunks_per_w):
    mesh = plsc.VectorSubcoreMesh(core_axis_name="c", subcore_axis_name="s")

    @functools.partial(
        pl.kernel,
        mesh=mesh,
        compiler_params=pltpu.CompilerParams(use_tc_tiling_on_sc=False),
        out_type=jax.ShapeDtypeStruct(
            (NUM_WORKERS, chunks_per_w, CHUNK, D_MODEL), jnp.float32
        ),
        scratch_types=[
            pltpu.VMEM((chunks_per_w, CHUNK), jnp.int32),
            pltpu.VMEM((NBUF, CHUNK, D_MODEL), jnp.float32),
        ]
        + [pltpu.SemaphoreType.DMA] * (2 * NBUF),
    )
    def k(idx_hbm, table_hbm, out_hbm, idx_v, rows_v, *sems):
        gsems = sems[:NBUF]
        ssems = sems[NBUF:]
        wid = lax.axis_index("s") * NUM_CORES + lax.axis_index("c")

        pltpu.sync_copy(idx_hbm.at[wid], idx_v)

        def gather_desc(j, b):
            return pltpu.make_async_copy(
                table_hbm.at[idx_v.at[j]], rows_v.at[b], gsems[b]
            )

        def store_desc(j, b):
            return pltpu.make_async_copy(
                rows_v.at[b], out_hbm.at[wid, j], ssems[b]
            )

        for b in range(NBUF):
            gather_desc(b, b).start()

        def group(g, carry):
            for b in range(NBUF):
                j = g * NBUF + b
                gather_desc(j, b).wait()
                store_desc(j, b).start()
                nxt = j + NBUF

                @pl.when(nxt < chunks_per_w)
                def _():
                    store_desc(j, b).wait()
                    gather_desc(nxt, b).start()

            return carry

        lax.fori_loop(0, chunks_per_w // NBUF, group, 0)

        for b in range(NBUF):
            store_desc(chunks_per_w - NBUF + b, b).wait()

    return k(idx, table)


def kernel(token_ids, weight):
    batch, hist = token_ids.shape
    vocab, d_model = weight.shape
    total = batch * hist
    chunks_per_w = total // (NUM_WORKERS * CHUNK)
    table2 = _repack_table(weight.T)
    table = table2.reshape(2 * HALF, d_model)
    idx = jnp.where(token_ids < HALF, token_ids * 2, (token_ids - HALF) * 2 + 1)
    idx = idx.reshape(NUM_WORKERS, chunks_per_w, CHUNK)
    out = _gather_sc(idx, table, chunks_per_w)
    return out.reshape(batch, hist, d_model)

# --- scband reference (transcript-rebuilt; emitter-appended) ---
"""Pipeline reference for scband-embedding-3882650437123 (READ-ONLY COPY).

The authoritative reference and input builder live on the scoring server;
editing this copy changes nothing except your own understanding.
"""

import jax, jax.numpy as jnp
import numpy as np

VOCAB = 1000000
D_MODEL = 64
BATCH = 16384
HIST = 20

def setup_inputs(seed: int = 0) -> dict:
    key = jax.random.key(seed)
    k_idx, k_w = jax.random.split(key)
    token_ids = jax.random.randint(k_idx, (BATCH, HIST), 0, VOCAB, dtype=jnp.int32)
    # trunc_normal_(mean=0, std=1, a=-3, b=3) approximated by clipped normal
    weight = jnp.clip(jax.random.normal(k_w, (VOCAB, D_MODEL), dtype=jnp.float32), -3.0, 3.0)
    return {"token_ids": token_ids, "weight": weight}

def reference(token_ids, weight):
    # self.weight[token_ids, :]
    return jnp.take(weight, token_ids, axis=0)

if __name__ == "__main__":
    import jax
    _d = setup_inputs()
    print(jax.jit(kernel)(*tuple(_d.values())))

</pallas_src>

<mosaic_0001>
#map = affine_map<(d0, d1) -> (0, 0, 0)>
#map1 = affine_map<(d0, d1) -> (0, 0)>
#map2 = affine_map<(d0, d1) -> (0, 0, 0, 0)>
module attributes {stable_mosaic.version = 14 : i64} {
  func.func @k(%arg0: i32, %arg1: i32, %arg2: memref<32x80x128xi32, #tpu.memory_space<hbm>>, %arg3: memref<1048576x64xf32, #tpu.memory_space<hbm>>, %arg4: memref<32x80x128x64xf32, #tpu.memory_space<hbm>>, %arg5: memref<80x128xi32, #tpu.memory_space<vmem>>, %arg6: memref<4x128x64xf32, #tpu.memory_space<vmem>>, %arg7: memref<!tpu.dma_semaphore, #tpu.memory_space<semaphore_mem>>, %arg8: memref<!tpu.dma_semaphore, #tpu.memory_space<semaphore_mem>>, %arg9: memref<!tpu.dma_semaphore, #tpu.memory_space<semaphore_mem>>, %arg10: memref<!tpu.dma_semaphore, #tpu.memory_space<semaphore_mem>>, %arg11: memref<!tpu.dma_semaphore, #tpu.memory_space<semaphore_mem>>, %arg12: memref<!tpu.dma_semaphore, #tpu.memory_space<semaphore_mem>>, %arg13: memref<!tpu.dma_semaphore, #tpu.memory_space<semaphore_mem>>, %arg14: memref<!tpu.dma_semaphore, #tpu.memory_space<semaphore_mem>>) attributes {dimension_semantics = [#tpu.dimension_semantics<core_parallel>, #tpu.dimension_semantics<subcore_parallel>], iteration_bounds = array<i64: 2, 16>, scalar_prefetch = 0 : i64, scratch_operands = 10 : i64, tpu.core_type = #tpu.core_type<sc_vector_subcore>, window_params = [{transform_indices = #map}, {transform_indices = #map1}, {transform_indices = #map2}]} {
    %mul3A = arith.constant 2 : i32
    %mul3A_0 = arith.muli %arg1, %mul3A : i32
    %add3A = arith.addi %mul3A_0, %arg0 : i32
    "tpu.region"() ({
      %run_scoped3A = tpu.sem_alloc : memref<!tpu.dma_semaphore, #tpu.memory_space<semaphore_mem>>
      %dma_start3A_124 = arith.constant 0 : i32
      %dma_start3A_125 = arith.constant 0 : i32
      %dma_start3A_126 = tpu.memref_slice %arg2[%add3A, %dma_start3A_124, %dma_start3A_125] : memref<32x80x128xi32, #tpu.memory_space<hbm>> -> memref<1x80x128xi32, #tpu.memory_space<hbm>>
      %dma_start3A_127 = tpu.memref_squeeze %dma_start3A_126 : memref<1x80x128xi32, #tpu.memory_space<hbm>> -> memref<80x128xi32, #tpu.memory_space<hbm>>
      %dma_start3A_128 = arith.constant 0 : i32
      %dma_start3A_129 = arith.constant 0 : i32
      %dma_start3A_130 = tpu.memref_slice %arg2[%add3A, %dma_start3A_128, %dma_start3A_129] : memref<32x80x128xi32, #tpu.memory_space<hbm>> -> memref<1x80x128xi32, #tpu.memory_space<hbm>>
      %dma_start3A_131 = tpu.memref_squeeze %dma_start3A_130 : memref<1x80x128xi32, #tpu.memory_space<hbm>> -> memref<80x128xi32, #tpu.memory_space<hbm>>
      tpu.enqueue_dma source(%dma_start3A_131 : memref<80x128xi32, #tpu.memory_space<hbm>>) target(%arg5 : memref<80x128xi32, #tpu.memory_space<vmem>>) target_semaphore(%run_scoped3A : memref<!tpu.dma_semaphore, #tpu.memory_space<semaphore_mem>>)
      %dma_wait3A_132 = arith.constant 0 : i32
      %dma_wait3A_133 = arith.constant 0 : i32
      %dma_wait3A_134 = tpu.memref_slice %arg2[%add3A, %dma_wait3A_132, %dma_wait3A_133] : memref<32x80x128xi32, #tpu.memory_space<hbm>> -> memref<1x80x128xi32, #tpu.memory_space<hbm>>
      %dma_wait3A_135 = tpu.memref_squeeze %dma_wait3A_134 : memref<1x80x128xi32, #tpu.memory_space<hbm>> -> memref<80x128xi32, #tpu.memory_space<hbm>>
      %dma_wait3A_136 = arith.constant 0 : i32
      %dma_wait3A_137 = arith.constant 0 : i32
      %dma_wait3A_138 = tpu.memref_slice %arg2[%add3A, %dma_wait3A_136, %dma_wait3A_137] : memref<32x80x128xi32, #tpu.memory_space<hbm>> -> memref<1x80x128xi32, #tpu.memory_space<hbm>>
      %dma_wait3A_139 = tpu.memref_squeeze %dma_wait3A_138 : memref<1x80x128xi32, #tpu.memory_space<hbm>> -> memref<80x128xi32, #tpu.memory_space<hbm>>
      tpu.wait_dma2 semaphore(%run_scoped3A : memref<!tpu.dma_semaphore, #tpu.memory_space<semaphore_mem>>) src(%dma_wait3A_139 : memref<80x128xi32, #tpu.memory_space<hbm>>) dst(%arg5 : memref<80x128xi32, #tpu.memory_space<vmem>>)
      tpu.yield
    }) : () -> ()
    %dma_start3A = arith.constant 0 : i32
    %dma_start3A_1 = arith.constant 0 : i32
    %dma_start3A_2 = arith.constant 0 : i32
    %dma_start3A_3 = arith.constant 0 : i32
    %dma_start3A_4 = tpu.memref_slice %arg6[%dma_start3A_1, %dma_start3A_2, %dma_start3A_3] : memref<4x128x64xf32, #tpu.memory_space<vmem>> -> memref<1x128x64xf32, #tpu.memory_space<vmem>>
    %dma_start3A_5 = tpu.memref_squeeze %dma_start3A_4 : memref<1x128x64xf32, #tpu.memory_space<vmem>> -> memref<128x64xf32, #tpu.memory_space<vmem>>
    %dma_start3A_6 = arith.constant 0 : i32
    %dma_start3A_7 = tpu.memref_slice %arg5[%dma_start3A, %dma_start3A_6] : memref<80x128xi32, #tpu.memory_space<vmem>> -> memref<1x128xi32, #tpu.memory_space<vmem>>
    %dma_start3A_8 = tpu.memref_squeeze %dma_start3A_7 : memref<1x128xi32, #tpu.memory_space<vmem>> -> memref<128xi32, #tpu.memory_space<vmem>>
    %dma_start3A_9 = arith.constant 0 : i32
    %dma_start3A_10 = arith.constant 0 : i32
    %dma_start3A_11 = tpu.memref_slice %arg3[%dma_start3A_9, %dma_start3A_10] : memref<1048576x64xf32, #tpu.memory_space<hbm>> -> memref<1048576x64xf32, #tpu.memory_space<hbm>>
    tpu.enqueue_indirect_dma source(%dma_start3A_11 : memref<1048576x64xf32, #tpu.memory_space<hbm>>) target(%dma_start3A_5 : memref<128x64xf32, #tpu.memory_space<vmem>>) offsets(%dma_start3A_8 : memref<128xi32, #tpu.memory_space<vmem>>) semaphore(%arg7 : memref<!tpu.dma_semaphore, #tpu.memory_space<semaphore_mem>>)
    %dma_start3A_12 = arith.constant 1 : i32
    %dma_start3A_13 = arith.constant 1 : i32
    %dma_start3A_14 = arith.constant 0 : i32
    %dma_start3A_15 = arith.constant 0 : i32
    %dma_start3A_16 = tpu.memref_slice %arg6[%dma_start3A_13, %dma_start3A_14, %dma_start3A_15] : memref<4x128x64xf32, #tpu.memory_space<vmem>> -> memref<1x128x64xf32, #tpu.memory_space<vmem>>
    %dma_start3A_17 = tpu.memref_squeeze %dma_start3A_16 : memref<1x128x64xf32, #tpu.memory_space<vmem>> -> memref<128x64xf32, #tpu.memory_space<vmem>>
    %dma_start3A_18 = arith.constant 0 : i32
    %dma_start3A_19 = tpu.memref_slice %arg5[%dma_start3A_12, %dma_start3A_18] : memref<80x128xi32, #tpu.memory_space<vmem>> -> memref<1x128xi32, #tpu.memory_space<vmem>>
    %dma_start3A_20 = tpu.memref_squeeze %dma_start3A_19 : memref<1x128xi32, #tpu.memory_space<vmem>> -> memref<128xi32, #tpu.memory_space<vmem>>
    %dma_start3A_21 = arith.constant 0 : i32
    %dma_start3A_22 = arith.constant 0 : i32
    %dma_start3A_23 = tpu.memref_slice %arg3[%dma_start3A_21, %dma_start3A_22] : memref<1048576x64xf32, #tpu.memory_space<hbm>> -> memref<1048576x64xf32, #tpu.memory_space<hbm>>
    tpu.enqueue_indirect_dma source(%dma_start3A_23 : memref<1048576x64xf32, #tpu.memory_space<hbm>>) target(%dma_start3A_17 : memref<128x64xf32, #tpu.memory_space<vmem>>) offsets(%dma_start3A_20 : memref<128xi32, #tpu.memory_space<vmem>>) semaphore(%arg8 : memref<!tpu.dma_semaphore, #tpu.memory_space<semaphore_mem>>)
    %dma_start3A_24 = arith.constant 2 : i32
    %dma_start3A_25 = arith.constant 2 : i32
    %dma_start3A_26 = arith.constant 0 : i32
    %dma_start3A_27 = arith.constant 0 : i32
    %dma_start3A_28 = tpu.memref_slice %arg6[%dma_start3A_25, %dma_start3A_26, %dma_start3A_27] : memref<4x128x64xf32, #tpu.memory_space<vmem>> -> memref<1x128x64xf32, #tpu.memory_space<vmem>>
    %dma_start3A_29 = tpu.memref_squeeze %dma_start3A_28 : memref<1x128x64xf32, #tpu.memory_space<vmem>> -> memref<128x64xf32, #tpu.memory_space<vmem>>
    %dma_start3A_30 = arith.constant 0 : i32
    %dma_start3A_31 = tpu.memref_slice %arg5[%dma_start3A_24, %dma_start3A_30] : memref<80x128xi32, #tpu.memory_space<vmem>> -> memref<1x128xi32, #tpu.memory_space<vmem>>
    %dma_start3A_32 = tpu.memref_squeeze %dma_start3A_31 : memref<1x128xi32, #tpu.memory_space<vmem>> -> memref<128xi32, #tpu.memory_space<vmem>>
    %dma_start3A_33 = arith.constant 0 : i32
    %dma_start3A_34 = arith.constant 0 : i32
    %dma_start3A_35 = tpu.memref_slice %arg3[%dma_start3A_33, %dma_start3A_34] : memref<1048576x64xf32, #tpu.memory_space<hbm>> -> memref<1048576x64xf32, #tpu.memory_space<hbm>>
    tpu.enqueue_indirect_dma source(%dma_start3A_35 : memref<1048576x64xf32, #tpu.memory_space<hbm>>) target(%dma_start3A_29 : memref<128x64xf32, #tpu.memory_space<vmem>>) offsets(%dma_start3A_32 : memref<128xi32, #tpu.memory_space<vmem>>) semaphore(%arg9 : memref<!tpu.dma_semaphore, #tpu.memory_space<semaphore_mem>>)
    %dma_start3A_36 = arith.constant 3 : i32
    %dma_start3A_37 = arith.constant 3 : i32
    %dma_start3A_38 = arith.constant 0 : i32
    %dma_start3A_39 = arith.constant 0 : i32
    %dma_start3A_40 = tpu.memref_slice %arg6[%dma_start3A_37, %dma_start3A_38, %dma_start3A_39] : memref<4x128x64xf32, #tpu.memory_space<vmem>> -> memref<1x128x64xf32, #tpu.memory_space<vmem>>
    %dma_start3A_41 = tpu.memref_squeeze %dma_start3A_40 : memref<1x128x64xf32, #tpu.memory_space<vmem>> -> memref<128x64xf32, #tpu.memory_space<vmem>>
    %dma_start3A_42 = arith.constant 0 : i32
    %dma_start3A_43 = tpu.memref_slice %arg5[%dma_start3A_36, %dma_start3A_42] : memref<80x128xi32, #tpu.memory_space<vmem>> -> memref<1x128xi32, #tpu.memory_space<vmem>>
    %dma_start3A_44 = tpu.memref_squeeze %dma_start3A_43 : memref<1x128xi32, #tpu.memory_space<vmem>> -> memref<128xi32, #tpu.memory_space<vmem>>
    %dma_start3A_45 = arith.constant 0 : i32
    %dma_start3A_46 = arith.constant 0 : i32
    %dma_start3A_47 = tpu.memref_slice %arg3[%dma_start3A_45, %dma_start3A_46] : memref<1048576x64xf32, #tpu.memory_space<hbm>> -> memref<1048576x64xf32, #tpu.memory_space<hbm>>
    tpu.enqueue_indirect_dma source(%dma_start3A_47 : memref<1048576x64xf32, #tpu.memory_space<hbm>>) target(%dma_start3A_41 : memref<128x64xf32, #tpu.memory_space<vmem>>) offsets(%dma_start3A_44 : memref<128xi32, #tpu.memory_space<vmem>>) semaphore(%arg10 : memref<!tpu.dma_semaphore, #tpu.memory_space<semaphore_mem>>)
    %scan3A = arith.constant 0 : i32
    %scan3A_48 = arith.constant 0 : i32
    %scan3A_49 = arith.constant 20 : i32
    %scan3A_50 = arith.addi %scan3A_48, %scan3A_49 : i32
    %scan3A_51 = arith.constant 1 : i32
    scf.for %scan3A_124 = %scan3A_48 to %scan3A_50 step %scan3A_51  : i32 {
      %mul3A_125 = arith.constant 4 : i32
      %mul3A_126 = arith.muli %scan3A_124, %mul3A_125 : i32
      %add3A_127 = arith.constant 0 : i32
      %add3A_128 = arith.addi %mul3A_126, %add3A_127 : i32
      %dma_wait3A_129 = arith.constant 0 : i32
      %dma_wait3A_130 = arith.constant 0 : i32
      %dma_wait3A_131 = arith.constant 0 : i32
      %dma_wait3A_132 = tpu.memref_slice %arg6[%dma_wait3A_129, %dma_wait3A_130, %dma_wait3A_131] : memref<4x128x64xf32, #tpu.memory_space<vmem>> -> memref<1x128x64xf32, #tpu.memory_space<vmem>>
      %dma_wait3A_133 = tpu.memref_squeeze %dma_wait3A_132 : memref<1x128x64xf32, #tpu.memory_space<vmem>> -> memref<128x64xf32, #tpu.memory_space<vmem>>
      %dma_wait3A_134 = arith.constant 0 : i32
      %dma_wait3A_135 = tpu.memref_slice %arg5[%add3A_128, %dma_wait3A_134] : memref<80x128xi32, #tpu.memory_space<vmem>> -> memref<1x128xi32, #tpu.memory_space<vmem>>
      %dma_wait3A_136 = tpu.memref_squeeze %dma_wait3A_135 : memref<1x128xi32, #tpu.memory_space<vmem>> -> memref<128xi32, #tpu.memory_space<vmem>>
      %dma_wait3A_137 = arith.constant 0 : i32
      %dma_wait3A_138 = arith.constant 0 : i32
      %dma_wait3A_139 = tpu.memref_slice %arg3[%dma_wait3A_137, %dma_wait3A_138] : memref<1048576x64xf32, #tpu.memory_space<hbm>> -> memref<1048576x64xf32, #tpu.memory_space<hbm>>
      tpu.wait_indirect_dma semaphore(%arg7 : memref<!tpu.dma_semaphore, #tpu.memory_space<semaphore_mem>>) src(%dma_wait3A_139 : memref<1048576x64xf32, #tpu.memory_space<hbm>>) dst(%dma_wait3A_133 : memref<128x64xf32, #tpu.memory_space<vmem>>)
      %dma_start3A_140 = arith.constant 0 : i32
      %dma_start3A_141 = arith.constant 0 : i32
      %dma_start3A_142 = arith.constant 0 : i32
      %dma_start3A_143 = tpu.memref_slice %arg6[%dma_start3A_140, %dma_start3A_141, %dma_start3A_142] : memref<4x128x64xf32, #tpu.memory_space<vmem>> -> memref<1x128x64xf32, #tpu.memory_space<vmem>>
      %dma_start3A_144 = tpu.memref_squeeze %dma_start3A_143 : memref<1x128x64xf32, #tpu.memory_space<vmem>> -> memref<128x64xf32, #tpu.memory_space<vmem>>
      %dma_start3A_145 = arith.constant 0 : i32
      %dma_start3A_146 = arith.constant 0 : i32
      %dma_start3A_147 = tpu.memref_slice %arg4[%add3A, %add3A_128, %dma_start3A_145, %dma_start3A_146] : memref<32x80x128x64xf32, #tpu.memory_space<hbm>> -> memref<1x1x128x64xf32, #tpu.memory_space<hbm>>
      %dma_start3A_148 = tpu.memref_squeeze %dma_start3A_147 : memref<1x1x128x64xf32, #tpu.memory_space<hbm>> -> memref<128x64xf32, #tpu.memory_space<hbm>>
      %dma_start3A_149 = arith.constant 0 : i32
      %dma_start3A_150 = arith.constant 0 : i32
      %dma_start3A_151 = tpu.memref_slice %arg4[%add3A, %add3A_128, %dma_start3A_149, %dma_start3A_150] : memref<32x80x128x64xf32, #tpu.memory_space<hbm>> -> memref<1x1x128x64xf32, #tpu.memory_space<hbm>>
      %dma_start3A_152 = tpu.memref_squeeze %dma_start3A_151 : memref<1x1x128x64xf32, #tpu.memory_space<hbm>> -> memref<128x64xf32, #tpu.memory_space<hbm>>
      %dma_start3A_153 = arith.constant 0 : i32
      %dma_start3A_154 = arith.constant 0 : i32
      %dma_start3A_155 = tpu.memref_slice %arg6[%dma_start3A_140, %dma_start3A_153, %dma_start3A_154] : memref<4x128x64xf32, #tpu.memory_space<vmem>> -> memref<1x128x64xf32, #tpu.memory_space<vmem>>
      %dma_start3A_156 = tpu.memref_squeeze %dma_start3A_155 : memref<1x128x64xf32, #tpu.memory_space<vmem>> -> memref<128x64xf32, #tpu.memory_space<vmem>>
      tpu.enqueue_dma source(%dma_start3A_156 : memref<128x64xf32, #tpu.memory_space<vmem>>) target(%dma_start3A_152 : memref<128x64xf32, #tpu.memory_space<hbm>>) target_semaphore(%arg11 : memref<!tpu.dma_semaphore, #tpu.memory_space<semaphore_mem>>)
      %add3A_157 = arith.constant 4 : i32
      %add3A_158 = arith.addi %add3A_128, %add3A_157 : i32
      %lt3A = arith.constant 80 : i32
      %lt3A_159 = arith.cmpi slt, %add3A_158, %lt3A : i32
      %convert_element_type3A = arith.extui %lt3A_159 : i1 to i32
      %cond3A = arith.constant 0 : i32
      %cond3A_160 = arith.cmpi ne, %convert_element_type3A, %cond3A : i32
      scf.if %cond3A_160 {
        %dma_wait3A_278 = arith.constant 0 : i32
        %dma_wait3A_279 = arith.constant 0 : i32
        %dma_wait3A_280 = arith.constant 0 : i32
        %dma_wait3A_281 = tpu.memref_slice %arg6[%dma_wait3A_278, %dma_wait3A_279, %dma_wait3A_280] : memref<4x128x64xf32, #tpu.memory_space<vmem>> -> memref<1x128x64xf32, #tpu.memory_space<vmem>>
        %dma_wait3A_282 = tpu.memref_squeeze %dma_wait3A_281 : memref<1x128x64xf32, #tpu.memory_space<vmem>> -> memref<128x64xf32, #tpu.memory_space<vmem>>
        %dma_wait3A_283 = arith.constant 0 : i32
        %dma_wait3A_284 = arith.constant 0 : i32
        %dma_wait3A_285 = tpu.memref_slice %arg4[%add3A, %add3A_128, %dma_wait3A_283, %dma_wait3A_284] : memref<32x80x128x64xf32, #tpu.memory_space<hbm>> -> memref<1x1x128x64xf32, #tpu.memory_space<hbm>>
        %dma_wait3A_286 = tpu.memref_squeeze %dma_wait3A_285 : memref<1x1x128x64xf32, #tpu.memory_space<hbm>> -> memref<128x64xf32, #tpu.memory_space<hbm>>
        %dma_wait3A_287 = arith.constant 0 : i32
        %dma_wait3A_288 = arith.constant 0 : i32
        %dma_wait3A_289 = tpu.memref_slice %arg4[%add3A, %add3A_128, %dma_wait3A_287, %dma_wait3A_288] : memref<32x80x128x64xf32, #tpu.memory_space<hbm>> -> memref<1x1x128x64xf32, #tpu.memory_space<hbm>>
        %dma_wait3A_290 = tpu.memref_squeeze %dma_wait3A_289 : memref<1x1x128x64xf32, #tpu.memory_space<hbm>> -> memref<128x64xf32, #tpu.memory_space<hbm>>
        %dma_wait3A_291 = arith.constant 0 : i32
        %dma_wait3A_292 = arith.constant 0 : i32
        %dma_wait3A_293 = tpu.memref_slice %arg6[%dma_wait3A_278, %dma_wait3A_291, %dma_wait3A_292] : memref<4x128x64xf32, #tpu.memory_space<vmem>> -> memref<1x128x64xf32, #tpu.memory_space<vmem>>
        %dma_wait3A_294 = tpu.memref_squeeze %dma_wait3A_293 : memref<1x128x64xf32, #tpu.memory_space<vmem>> -> memref<128x64xf32, #tpu.memory_space<vmem>>
        tpu.wait_dma2 semaphore(%arg11 : memref<!tpu.dma_semaphore, #tpu.memory_space<semaphore_mem>>) src(%dma_wait3A_294 : memref<128x64xf32, #tpu.memory_space<vmem>>) dst(%dma_wait3A_290 : memref<128x64xf32, #tpu.memory_space<hbm>>)
        %dma_start3A_295 = arith.constant 0 : i32
        %dma_start3A_296 = arith.constant 0 : i32
        %dma_start3A_297 = arith.constant 0 : i32
        %dma_start3A_298 = tpu.memref_slice %arg6[%dma_start3A_295, %dma_start3A_296, %dma_start3A_297] : memref<4x128x64xf32, #tpu.memory_space<vmem>> -> memref<1x128x64xf32, #tpu.memory_space<vmem>>
        %dma_start3A_299 = tpu.memref_squeeze %dma_start3A_298 : memref<1x128x64xf32, #tpu.memory_space<vmem>> -> memref<128x64xf32, #tpu.memory_space<vmem>>
        %dma_start3A_300 = arith.constant 0 : i32
        %dma_start3A_301 = tpu.memref_slice %arg5[%add3A_158, %dma_start3A_300] : memref<80x128xi32, #tpu.memory_space<vmem>> -> memref<1x128xi32, #tpu.memory_space<vmem>>
        %dma_start3A_302 = tpu.memref_squeeze %dma_start3A_301 : memref<1x128xi32, #tpu.memory_space<vmem>> -> memref<128xi32, #tpu.memory_space<vmem>>
        %dma_start3A_303 = arith.constant 0 : i32
        %dma_start3A_304 = arith.constant 0 : i32
        %dma_start3A_305 = tpu.memref_slice %arg3[%dma_start3A_303, %dma_start3A_304] : memref<1048576x64xf32, #tpu.memory_space<hbm>> -> memref<1048576x64xf32, #tpu.memory_space<hbm>>
        tpu.enqueue_indirect_dma source(%dma_start3A_305 : memref<1048576x64xf32, #tpu.memory_space<hbm>>) target(%dma_start3A_299 : memref<128x64xf32, #tpu.memory_space<vmem>>) offsets(%dma_start3A_302 : memref<128xi32, #tpu.memory_space<vmem>>) semaphore(%arg7 : memref<!tpu.dma_semaphore, #tpu.memory_space<semaphore_mem>>)
      } else {
      }
      %mul3A_161 = arith.constant 4 : i32
      %mul3A_162 = arith.muli %scan3A_124, %mul3A_161 : i32
      %add3A_163 = arith.constant 1 : i32
      %add3A_164 = arith.addi %mul3A_162, %add3A_163 : i32
      %dma_wait3A_165 = arith.constant 1 : i32
      %dma_wait3A_166 = arith.constant 0 : i32
      %dma_wait3A_167 = arith.constant 0 : i32
      %dma_wait3A_168 = tpu.memref_slice %arg6[%dma_wait3A_165, %dma_wait3A_166, %dma_wait3A_167] : memref<4x128x64xf32, #tpu.memory_space<vmem>> -> memref<1x128x64xf32, #tpu.memory_space<vmem>>
      %dma_wait3A_169 = tpu.memref_squeeze %dma_wait3A_168 : memref<1x128x64xf32, #tpu.memory_space<vmem>> -> memref<128x64xf32, #tpu.memory_space<vmem>>
      %dma_wait3A_170 = arith.constant 0 : i32
      %dma_wait3A_171 = tpu.memref_slice %arg5[%add3A_164, %dma_wait3A_170] : memref<80x128xi32, #tpu.memory_space<vmem>> -> memref<1x128xi32, #tpu.memory_space<vmem>>
      %dma_wait3A_172 = tpu.memref_squeeze %dma_wait3A_171 : memref<1x128xi32, #tpu.memory_space<vmem>> -> memref<128xi32, #tpu.memory_space<vmem>>
      %dma_wait3A_173 = arith.constant 0 : i32
      %dma_wait3A_174 = arith.constant 0 : i32
      %dma_wait3A_175 = tpu.memref_slice %arg3[%dma_wait3A_173, %dma_wait3A_174] : memref<1048576x64xf32, #tpu.memory_space<hbm>> -> memref<1048576x64xf32, #tpu.memory_space<hbm>>
      tpu.wait_indirect_dma semaphore(%arg8 : memref<!tpu.dma_semaphore, #tpu.memory_space<semaphore_mem>>) src(%dma_wait3A_175 : memref<1048576x64xf32, #tpu.memory_space<hbm>>) dst(%dma_wait3A_169 : memref<128x64xf32, #tpu.memory_space<vmem>>)
      %dma_start3A_176 = arith.constant 1 : i32
      %dma_start3A_177 = arith.constant 0 : i32
      %dma_start3A_178 = arith.constant 0 : i32
      %dma_start3A_179 = tpu.memref_slice %arg6[%dma_start3A_176, %dma_start3A_177, %dma_start3A_178] : memref<4x128x64xf32, #tpu.memory_space<vmem>> -> memref<1x128x64xf32, #tpu.memory_space<vmem>>
      %dma_start3A_180 = tpu.memref_squeeze %dma_start3A_179 : memref<1x128x64xf32, #tpu.memory_space<vmem>> -> memref<128x64xf32, #tpu.memory_space<vmem>>
      %dma_start3A_181 = arith.constant 0 : i32
      %dma_start3A_182 = arith.constant 0 : i32
      %dma_start3A_183 = tpu.memref_slice %arg4[%add3A, %add3A_164, %dma_start3A_181, %dma_start3A_182] : memref<32x80x128x64xf32, #tpu.memory_space<hbm>> -> memref<1x1x128x64xf32, #tpu.memory_space<hbm>>
      %dma_start3A_184 = tpu.memref_squeeze %dma_start3A_183 : memref<1x1x128x64xf32, #tpu.memory_space<hbm>> -> memref<128x64xf32, #tpu.memory_space<hbm>>
      %dma_start3A_185 = arith.constant 0 : i32
      %dma_start3A_186 = arith.constant 0 : i32
      %dma_start3A_187 = tpu.memref_slice %arg4[%add3A, %add3A_164, %dma_start3A_185, %dma_start3A_186] : memref<32x80x128x64xf32, #tpu.memory_space<hbm>> -> memref<1x1x128x64xf32, #tpu.memory_space<hbm>>
      %dma_start3A_188 = tpu.memref_squeeze %dma_start3A_187 : memref<1x1x128x64xf32, #tpu.memory_space<hbm>> -> memref<128x64xf32, #tpu.memory_space<hbm>>
      %dma_start3A_189 = arith.constant 0 : i32
      %dma_start3A_190 = arith.constant 0 : i32
      %dma_start3A_191 = tpu.memref_slice %arg6[%dma_start3A_176, %dma_start3A_189, %dma_start3A_190] : memref<4x128x64xf32, #tpu.memory_space<vmem>> -> memref<1x128x64xf32, #tpu.memory_space<vmem>>
      %dma_start3A_192 = tpu.memref_squeeze %dma_start3A_191 : memref<1x128x64xf32, #tpu.memory_space<vmem>> -> memref<128x64xf32, #tpu.memory_space<vmem>>
      tpu.enqueue_dma source(%dma_start3A_192 : memref<128x64xf32, #tpu.memory_space<vmem>>) target(%dma_start3A_188 : memref<128x64xf32, #tpu.memory_space<hbm>>) target_semaphore(%arg12 : memref<!tpu.dma_semaphore, #tpu.memory_space<semaphore_mem>>)
      %add3A_193 = arith.constant 4 : i32
      %add3A_194 = arith.addi %add3A_164, %add3A_193 : i32
      %lt3A_195 = arith.constant 80 : i32
      %lt3A_196 = arith.cmpi slt, %add3A_194, %lt3A_195 : i32
      %convert_element_type3A_197 = arith.extui %lt3A_196 : i1 to i32
      %cond3A_198 = arith.constant 0 : i32
      %cond3A_199 = arith.cmpi ne, %convert_element_type3A_197, %cond3A_198 : i32
      scf.if %cond3A_199 {
        %dma_wait3A_278 = arith.constant 1 : i32
        %dma_wait3A_279 = arith.constant 0 : i32
        %dma_wait3A_280 = arith.constant 0 : i32
        %dma_wait3A_281 = tpu.memref_slice %arg6[%dma_wait3A_278, %dma_wait3A_279, %dma_wait3A_280] : memref<4x128x64xf32, #tpu.memory_space<vmem>> -> memref<1x128x64xf32, #tpu.memory_space<vmem>>
        %dma_wait3A_282 = tpu.memref_squeeze %dma_wait3A_281 : memref<1x128x64xf32, #tpu.memory_space<vmem>> -> memref<128x64xf32, #tpu.memory_space<vmem>>
        %dma_wait3A_283 = arith.constant 0 : i32
        %dma_wait3A_284 = arith.constant 0 : i32
        %dma_wait3A_285 = tpu.memref_slice %arg4[%add3A, %add3A_164, %dma_wait3A_283, %dma_wait3A_284] : memref<32x80x128x64xf32, #tpu.memory_space<hbm>> -> memref<1x1x128x64xf32, #tpu.memory_space<hbm>>
        %dma_wait3A_286 = tpu.memref_squeeze %dma_wait3A_285 : memref<1x1x128x64xf32, #tpu.memory_space<hbm>> -> memref<128x64xf32, #tpu.memory_space<hbm>>
        %dma_wait3A_287 = arith.constant 0 : i32
        %dma_wait3A_288 = arith.constant 0 : i32
        %dma_wait3A_289 = tpu.memref_slice %arg4[%add3A, %add3A_164, %dma_wait3A_287, %dma_wait3A_288] : memref<32x80x128x64xf32, #tpu.memory_space<hbm>> -> memref<1x1x128x64xf32, #tpu.memory_space<hbm>>
        %dma_wait3A_290 = tpu.memref_squeeze %dma_wait3A_289 : memref<1x1x128x64xf32, #tpu.memory_space<hbm>> -> memref<128x64xf32, #tpu.memory_space<hbm>>
        %dma_wait3A_291 = arith.constant 0 : i32
        %dma_wait3A_292 = arith.constant 0 : i32
        %dma_wait3A_293 = tpu.memref_slice %arg6[%dma_wait3A_278, %dma_wait3A_291, %dma_wait3A_292] : memref<4x128x64xf32, #tpu.memory_space<vmem>> -> memref<1x128x64xf32, #tpu.memory_space<vmem>>
        %dma_wait3A_294 = tpu.memref_squeeze %dma_wait3A_293 : memref<1x128x64xf32, #tpu.memory_space<vmem>> -> memref<128x64xf32, #tpu.memory_space<vmem>>
        tpu.wait_dma2 semaphore(%arg12 : memref<!tpu.dma_semaphore, #tpu.memory_space<semaphore_mem>>) src(%dma_wait3A_294 : memref<128x64xf32, #tpu.memory_space<vmem>>) dst(%dma_wait3A_290 : memref<128x64xf32, #tpu.memory_space<hbm>>)
        %dma_start3A_295 = arith.constant 1 : i32
        %dma_start3A_296 = arith.constant 0 : i32
        %dma_start3A_297 = arith.constant 0 : i32
        %dma_start3A_298 = tpu.memref_slice %arg6[%dma_start3A_295, %dma_start3A_296, %dma_start3A_297] : memref<4x128x64xf32, #tpu.memory_space<vmem>> -> memref<1x128x64xf32, #tpu.memory_space<vmem>>
        %dma_start3A_299 = tpu.memref_squeeze %dma_start3A_298 : memref<1x128x64xf32, #tpu.memory_space<vmem>> -> memref<128x64xf32, #tpu.memory_space<vmem>>
        %dma_start3A_300 = arith.constant 0 : i32
        %dma_start3A_301 = tpu.memref_slice %arg5[%add3A_194, %dma_start3A_300] : memref<80x128xi32, #tpu.memory_space<vmem>> -> memref<1x128xi32, #tpu.memory_space<vmem>>
        %dma_start3A_302 = tpu.memref_squeeze %dma_start3A_301 : memref<1x128xi32, #tpu.memory_space<vmem>> -> memref<128xi32, #tpu.memory_space<vmem>>
        %dma_start3A_303 = arith.constant 0 : i32
        %dma_start3A_304 = arith.constant 0 : i32
        %dma_start3A_305 = tpu.memref_slice %arg3[%dma_start3A_303, %dma_start3A_304] : memref<1048576x64xf32, #tpu.memory_space<hbm>> -> memref<1048576x64xf32, #tpu.memory_space<hbm>>
        tpu.enqueue_indirect_dma source(%dma_start3A_305 : memref<1048576x64xf32, #tpu.memory_space<hbm>>) target(%dma_start3A_299 : memref<128x64xf32, #tpu.memory_space<vmem>>) offsets(%dma_start3A_302 : memref<128xi32, #tpu.memory_space<vmem>>) semaphore(%arg8 : memref<!tpu.dma_semaphore, #tpu.memory_space<semaphore_mem>>)
      } else {
      }
      %mul3A_200 = arith.constant 4 : i32
      %mul3A_201 = arith.muli %scan3A_124, %mul3A_200 : i32
      %add3A_202 = arith.constant 2 : i32
      %add3A_203 = arith.addi %mul3A_201, %add3A_202 : i32
      %dma_wait3A_204 = arith.constant 2 : i32
      %dma_wait3A_205 = arith.constant 0 : i32
      %dma_wait3A_206 = arith.constant 0 : i32
      %dma_wait3A_207 = tpu.memref_slice %arg6[%dma_wait3A_204, %dma_wait3A_205, %dma_wait3A_206] : memref<4x128x64xf32, #tpu.memory_space<vmem>> -> memref<1x128x64xf32, #tpu.memory_space<vmem>>
      %dma_wait3A_208 = tpu.memref_squeeze %dma_wait3A_207 : memref<1x128x64xf32, #tpu.memory_space<vmem>> -> memref<128x64xf32, #tpu.memory_space<vmem>>
      %dma_wait3A_209 = arith.constant 0 : i32
      %dma_wait3A_210 = tpu.memref_slice %arg5[%add3A_203, %dma_wait3A_209] : memref<80x128xi32, #tpu.memory_space<vmem>> -> memref<1x128xi32, #tpu.memory_space<vmem>>
      %dma_wait3A_211 = tpu.memref_squeeze %dma_wait3A_210 : memref<1x128xi32, #tpu.memory_space<vmem>> -> memref<128xi32, #tpu.memory_space<vmem>>
      %dma_wait3A_212 = arith.constant 0 : i32
      %dma_wait3A_213 = arith.constant 0 : i32
      %dma_wait3A_214 = tpu.memref_slice %arg3[%dma_wait3A_212, %dma_wait3A_213] : memref<1048576x64xf32, #tpu.memory_space<hbm>> -> memref<1048576x64xf32, #tpu.memory_space<hbm>>
      tpu.wait_indirect_dma semaphore(%arg9 : memref<!tpu.dma_semaphore, #tpu.memory_space<semaphore_mem>>) src(%dma_wait3A_214 : memref<1048576x64xf32, #tpu.memory_space<hbm>>) dst(%dma_wait3A_208 : memref<128x64xf32, #tpu.memory_space<vmem>>)
      %dma_start3A_215 = arith.constant 2 : i32
      %dma_start3A_216 = arith.constant 0 : i32
      %dma_start3A_217 = arith.constant 0 : i32
      %dma_start3A_218 = tpu.memref_slice %arg6[%dma_start3A_215, %dma_start3A_216, %dma_start3A_217] : memref<4x128x64xf32, #tpu.memory_space<vmem>> -> memref<1x128x64xf32, #tpu.memory_space<vmem>>
      %dma_start3A_219 = tpu.memref_squeeze %dma_start3A_218 : memref<1x128x64xf32, #tpu.memory_space<vmem>> -> memref<128x64xf32, #tpu.memory_space<vmem>>
      %dma_start3A_220 = arith.constant 0 : i32
      %dma_start3A_221 = arith.constant 0 : i32
      %dma_start3A_222 = tpu.memref_slice %arg4[%add3A, %add3A_203, %dma_start3A_220, %dma_start3A_221] : memref<32x80x128x64xf32, #tpu.memory_space<hbm>> -> memref<1x1x128x64xf32, #tpu.memory_space<hbm>>
      %dma_start3A_223 = tpu.memref_squeeze %dma_start3A_222 : memref<1x1x128x64xf32, #tpu.memory_space<hbm>> -> memref<128x64xf32, #tpu.memory_space<hbm>>
      %dma_start3A_224 = arith.constant 0 : i32
      %dma_start3A_225 = arith.constant 0 : i32
      %dma_start3A_226 = tpu.memref_slice %arg4[%add3A, %add3A_203, %dma_start3A_224, %dma_start3A_225] : memref<32x80x128x64xf32, #tpu.memory_space<hbm>> -> memref<1x1x128x64xf32, #tpu.memory_space<hbm>>
      %dma_start3A_227 = tpu.memref_squeeze %dma_start3A_226 : memref<1x1x128x64xf32, #tpu.memory_space<hbm>> -> memref<128x64xf32, #tpu.memory_space<hbm>>
      %dma_start3A_228 = arith.constant 0 : i32
      %dma_start3A_229 = arith.constant 0 : i32
      %dma_start3A_230 = tpu.memref_slice %arg6[%dma_start3A_215, %dma_start3A_228, %dma_start3A_229] : memref<4x128x64xf32, #tpu.memory_space<vmem>> -> memref<1x128x64xf32, #tpu.memory_space<vmem>>
      %dma_start3A_231 = tpu.memref_squeeze %dma_start3A_230 : memref<1x128x64xf32, #tpu.memory_space<vmem>> -> memref<128x64xf32, #tpu.memory_space<vmem>>
      tpu.enqueue_dma source(%dma_start3A_231 : memref<128x64xf32, #tpu.memory_space<vmem>>) target(%dma_start3A_227 : memref<128x64xf32, #tpu.memory_space<hbm>>) target_semaphore(%arg13 : memref<!tpu.dma_semaphore, #tpu.memory_space<semaphore_mem>>)
      %add3A_232 = arith.constant 4 : i32
      %add3A_233 = arith.addi %add3A_203, %add3A_232 : i32
      %lt3A_234 = arith.constant 80 : i32
      %lt3A_235 = arith.cmpi slt, %add3A_233, %lt3A_234 : i32
      %convert_element_type3A_236 = arith.extui %lt3A_235 : i1 to i32
      %cond3A_237 = arith.constant 0 : i32
      %cond3A_238 = arith.cmpi ne, %convert_element_type3A_236, %cond3A_237 : i32
      scf.if %cond3A_238 {
        %dma_wait3A_278 = arith.constant 2 : i32
        %dma_wait3A_279 = arith.constant 0 : i32
        %dma_wait3A_280 = arith.constant 0 : i32
        %dma_wait3A_281 = tpu.memref_slice %arg6[%dma_wait3A_278, %dma_wait3A_279, %dma_wait3A_280] : memref<4x128x64xf32, #tpu.memory_space<vmem>> -> memref<1x128x64xf32, #tpu.memory_space<vmem>>
        %dma_wait3A_282 = tpu.memref_squeeze %dma_wait3A_281 : memref<1x128x64xf32, #tpu.memory_space<vmem>> -> memref<128x64xf32, #tpu.memory_space<vmem>>
        %dma_wait3A_283 = arith.constant 0 : i32
        %dma_wait3A_284 = arith.constant 0 : i32
        %dma_wait3A_285 = tpu.memref_slice %arg4[%add3A, %add3A_203, %dma_wait3A_283, %dma_wait3A_284] : memref<32x80x128x64xf32, #tpu.memory_space<hbm>> -> memref<1x1x128x64xf32, #tpu.memory_space<hbm>>
        %dma_wait3A_286 = tpu.memref_squeeze %dma_wait3A_285 : memref<1x1x128x64xf32, #tpu.memory_space<hbm>> -> memref<128x64xf32, #tpu.memory_space<hbm>>
        %dma_wait3A_287 = arith.constant 0 : i32
        %dma_wait3A_288 = arith.constant 0 : i32
        %dma_wait3A_289 = tpu.memref_slice %arg4[%add3A, %add3A_203, %dma_wait3A_287, %dma_wait3A_288] : memref<32x80x128x64xf32, #tpu.memory_space<hbm>> -> memref<1x1x128x64xf32, #tpu.memory_space<hbm>>
        %dma_wait3A_290 = tpu.memref_squeeze %dma_wait3A_289 : memref<1x1x128x64xf32, #tpu.memory_space<hbm>> -> memref<128x64xf32, #tpu.memory_space<hbm>>
        %dma_wait3A_291 = arith.constant 0 : i32
        %dma_wait3A_292 = arith.constant 0 : i32
        %dma_wait3A_293 = tpu.memref_slice %arg6[%dma_wait3A_278, %dma_wait3A_291, %dma_wait3A_292] : memref<4x128x64xf32, #tpu.memory_space<vmem>> -> memref<1x128x64xf32, #tpu.memory_space<vmem>>
        %dma_wait3A_294 = tpu.memref_squeeze %dma_wait3A_293 : memref<1x128x64xf32, #tpu.memory_space<vmem>> -> memref<128x64xf32, #tpu.memory_space<vmem>>
        tpu.wait_dma2 semaphore(%arg13 : memref<!tpu.dma_semaphore, #tpu.memory_space<semaphore_mem>>) src(%dma_wait3A_294 : memref<128x64xf32, #tpu.memory_space<vmem>>) dst(%dma_wait3A_290 : memref<128x64xf32, #tpu.memory_space<hbm>>)
        %dma_start3A_295 = arith.constant 2 : i32
        %dma_start3A_296 = arith.constant 0 : i32
        %dma_start3A_297 = arith.constant 0 : i32
        %dma_start3A_298 = tpu.memref_slice %arg6[%dma_start3A_295, %dma_start3A_296, %dma_start3A_297] : memref<4x128x64xf32, #tpu.memory_space<vmem>> -> memref<1x128x64xf32, #tpu.memory_space<vmem>>
        %dma_start3A_299 = tpu.memref_squeeze %dma_start3A_298 : memref<1x128x64xf32, #tpu.memory_space<vmem>> -> memref<128x64xf32, #tpu.memory_space<vmem>>
        %dma_start3A_300 = arith.constant 0 : i32
        %dma_start3A_301 = tpu.memref_slice %arg5[%add3A_233, %dma_start3A_300] : memref<80x128xi32, #tpu.memory_space<vmem>> -> memref<1x128xi32, #tpu.memory_space<vmem>>
        %dma_start3A_302 = tpu.memref_squeeze %dma_start3A_301 : memref<1x128xi32, #tpu.memory_space<vmem>> -> memref<128xi32, #tpu.memory_space<vmem>>
        %dma_start3A_303 = arith.constant 0 : i32
        %dma_start3A_304 = arith.constant 0 : i32
        %dma_start3A_305 = tpu.memref_slice %arg3[%dma_start3A_303, %dma_start3A_304] : memref<1048576x64xf32, #tpu.memory_space<hbm>> -> memref<1048576x64xf32, #tpu.memory_space<hbm>>
        tpu.enqueue_indirect_dma source(%dma_start3A_305 : memref<1048576x64xf32, #tpu.memory_space<hbm>>) target(%dma_start3A_299 : memref<128x64xf32, #tpu.memory_space<vmem>>) offsets(%dma_start3A_302 : memref<128xi32, #tpu.memory_space<vmem>>) semaphore(%arg9 : memref<!tpu.dma_semaphore, #tpu.memory_space<semaphore_mem>>)
      } else {
      }
      %mul3A_239 = arith.constant 4 : i32
      %mul3A_240 = arith.muli %scan3A_124, %mul3A_239 : i32
      %add3A_241 = arith.constant 3 : i32
      %add3A_242 = arith.addi %mul3A_240, %add3A_241 : i32
      %dma_wait3A_243 = arith.constant 3 : i32
      %dma_wait3A_244 = arith.constant 0 : i32
      %dma_wait3A_245 = arith.constant 0 : i32
      %dma_wait3A_246 = tpu.memref_slice %arg6[%dma_wait3A_243, %dma_wait3A_244, %dma_wait3A_245] : memref<4x128x64xf32, #tpu.memory_space<vmem>> -> memref<1x128x64xf32, #tpu.memory_space<vmem>>
      %dma_wait3A_247 = tpu.memref_squeeze %dma_wait3A_246 : memref<1x128x64xf32, #tpu.memory_space<vmem>> -> memref<128x64xf32, #tpu.memory_space<vmem>>
      %dma_wait3A_248 = arith.constant 0 : i32
      %dma_wait3A_249 = tpu.memref_slice %arg5[%add3A_242, %dma_wait3A_248] : memref<80x128xi32, #tpu.memory_space<vmem>> -> memref<1x128xi32, #tpu.memory_space<vmem>>
      %dma_wait3A_250 = tpu.memref_squeeze %dma_wait3A_249 : memref<1x128xi32, #tpu.memory_space<vmem>> -> memref<128xi32, #tpu.memory_space<vmem>>
      %dma_wait3A_251 = arith.constant 0 : i32
      %dma_wait3A_252 = arith.constant 0 : i32
      %dma_wait3A_253 = tpu.memref_slice %arg3[%dma_wait3A_251, %dma_wait3A_252] : memref<1048576x64xf32, #tpu.memory_space<hbm>> -> memref<1048576x64xf32, #tpu.memory_space<hbm>>
      tpu.wait_indirect_dma semaphore(%arg10 : memref<!tpu.dma_semaphore, #tpu.memory_space<semaphore_mem>>) src(%dma_wait3A_253 : memref<1048576x64xf32, #tpu.memory_space<hbm>>) dst(%dma_wait3A_247 : memref<128x64xf32, #tpu.memory_space<vmem>>)
      %dma_start3A_254 = arith.constant 3 : i32
      %dma_start3A_255 = arith.constant 0 : i32
      %dma_start3A_256 = arith.constant 0 : i32
      %dma_start3A_257 = tpu.memref_slice %arg6[%dma_start3A_254, %dma_start3A_255, %dma_start3A_256] : memref<4x128x64xf32, #tpu.memory_space<vmem>> -> memref<1x128x64xf32, #tpu.memory_space<vmem>>
      %dma_start3A_258 = tpu.memref_squeeze %dma_start3A_257 : memref<1x128x64xf32, #tpu.memory_space<vmem>> -> memref<128x64xf32, #tpu.memory_space<vmem>>
      %dma_start3A_259 = arith.constant 0 : i32
      %dma_start3A_260 = arith.constant 0 : i32
      %dma_start3A_261 = tpu.memref_slice %arg4[%add3A, %add3A_242, %dma_start3A_259, %dma_start3A_260] : memref<32x80x128x64xf32, #tpu.memory_space<hbm>> -> memref<1x1x128x64xf32, #tpu.memory_space<hbm>>
      %dma_start3A_262 = tpu.memref_squeeze %dma_start3A_261 : memref<1x1x128x64xf32, #tpu.memory_space<hbm>> -> memref<128x64xf32, #tpu.memory_space<hbm>>
      %dma_start3A_263 = arith.constant 0 : i32
      %dma_start3A_264 = arith.constant 0 : i32
      %dma_start3A_265 = tpu.memref_slice %arg4[%add3A, %add3A_242, %dma_start3A_263, %dma_start3A_264] : memref<32x80x128x64xf32, #tpu.memory_space<hbm>> -> memref<1x1x128x64xf32, #tpu.memory_space<hbm>>
      %dma_start3A_266 = tpu.memref_squeeze %dma_start3A_265 : memref<1x1x128x64xf32, #tpu.memory_space<hbm>> -> memref<128x64xf32, #tpu.memory_space<hbm>>
      %dma_start3A_267 = arith.constant 0 : i32
      %dma_start3A_268 = arith.constant 0 : i32
      %dma_start3A_269 = tpu.memref_slice %arg6[%dma_start3A_254, %dma_start3A_267, %dma_start3A_268] : memref<4x128x64xf32, #tpu.memory_space<vmem>> -> memref<1x128x64xf32, #tpu.memory_space<vmem>>
      %dma_start3A_270 = tpu.memref_squeeze %dma_start3A_269 : memref<1x128x64xf32, #tpu.memory_space<vmem>> -> memref<128x64xf32, #tpu.memory_space<vmem>>
      tpu.enqueue_dma source(%dma_start3A_270 : memref<128x64xf32, #tpu.memory_space<vmem>>) target(%dma_start3A_266 : memref<128x64xf32, #tpu.memory_space<hbm>>) target_semaphore(%arg14 : memref<!tpu.dma_semaphore, #tpu.memory_space<semaphore_mem>>)
      %add3A_271 = arith.constant 4 : i32
      %add3A_272 = arith.addi %add3A_242, %add3A_271 : i32
      %lt3A_273 = arith.constant 80 : i32
      %lt3A_274 = arith.cmpi slt, %add3A_272, %lt3A_273 : i32
      %convert_element_type3A_275 = arith.extui %lt3A_274 : i1 to i32
      %cond3A_276 = arith.constant 0 : i32
      %cond3A_277 = arith.cmpi ne, %convert_element_type3A_275, %cond3A_276 : i32
      scf.if %cond3A_277 {
        %dma_wait3A_278 = arith.constant 3 : i32
        %dma_wait3A_279 = arith.constant 0 : i32
        %dma_wait3A_280 = arith.constant 0 : i32
        %dma_wait3A_281 = tpu.memref_slice %arg6[%dma_wait3A_278, %dma_wait3A_279, %dma_wait3A_280] : memref<4x128x64xf32, #tpu.memory_space<vmem>> -> memref<1x128x64xf32, #tpu.memory_space<vmem>>
        %dma_wait3A_282 = tpu.memref_squeeze %dma_wait3A_281 : memref<1x128x64xf32, #tpu.memory_space<vmem>> -> memref<128x64xf32, #tpu.memory_space<vmem>>
        %dma_wait3A_283 = arith.constant 0 : i32
        %dma_wait3A_284 = arith.constant 0 : i32
        %dma_wait3A_285 = tpu.memref_slice %arg4[%add3A, %add3A_242, %dma_wait3A_283, %dma_wait3A_284] : memref<32x80x128x64xf32, #tpu.memory_space<hbm>> -> memref<1x1x128x64xf32, #tpu.memory_space<hbm>>
        %dma_wait3A_286 = tpu.memref_squeeze %dma_wait3A_285 : memref<1x1x128x64xf32, #tpu.memory_space<hbm>> -> memref<128x64xf32, #tpu.memory_space<hbm>>
        %dma_wait3A_287 = arith.constant 0 : i32
        %dma_wait3A_288 = arith.constant 0 : i32
        %dma_wait3A_289 = tpu.memref_slice %arg4[%add3A, %add3A_242, %dma_wait3A_287, %dma_wait3A_288] : memref<32x80x128x64xf32, #tpu.memory_space<hbm>> -> memref<1x1x128x64xf32, #tpu.memory_space<hbm>>
        %dma_wait3A_290 = tpu.memref_squeeze %dma_wait3A_289 : memref<1x1x128x64xf32, #tpu.memory_space<hbm>> -> memref<128x64xf32, #tpu.memory_space<hbm>>
        %dma_wait3A_291 = arith.constant 0 : i32
        %dma_wait3A_292 = arith.constant 0 : i32
        %dma_wait3A_293 = tpu.memref_slice %arg6[%dma_wait3A_278, %dma_wait3A_291, %dma_wait3A_292] : memref<4x128x64xf32, #tpu.memory_space<vmem>> -> memref<1x128x64xf32, #tpu.memory_space<vmem>>
        %dma_wait3A_294 = tpu.memref_squeeze %dma_wait3A_293 : memref<1x128x64xf32, #tpu.memory_space<vmem>> -> memref<128x64xf32, #tpu.memory_space<vmem>>
        tpu.wait_dma2 semaphore(%arg14 : memref<!tpu.dma_semaphore, #tpu.memory_space<semaphore_mem>>) src(%dma_wait3A_294 : memref<128x64xf32, #tpu.memory_space<vmem>>) dst(%dma_wait3A_290 : memref<128x64xf32, #tpu.memory_space<hbm>>)
        %dma_start3A_295 = arith.constant 3 : i32
        %dma_start3A_296 = arith.constant 0 : i32
        %dma_start3A_297 = arith.constant 0 : i32
        %dma_start3A_298 = tpu.memref_slice %arg6[%dma_start3A_295, %dma_start3A_296, %dma_start3A_297] : memref<4x128x64xf32, #tpu.memory_space<vmem>> -> memref<1x128x64xf32, #tpu.memory_space<vmem>>
        %dma_start3A_299 = tpu.memref_squeeze %dma_start3A_298 : memref<1x128x64xf32, #tpu.memory_space<vmem>> -> memref<128x64xf32, #tpu.memory_space<vmem>>
        %dma_start3A_300 = arith.constant 0 : i32
        %dma_start3A_301 = tpu.memref_slice %arg5[%add3A_272, %dma_start3A_300] : memref<80x128xi32, #tpu.memory_space<vmem>> -> memref<1x128xi32, #tpu.memory_space<vmem>>
        %dma_start3A_302 = tpu.memref_squeeze %dma_start3A_301 : memref<1x128xi32, #tpu.memory_space<vmem>> -> memref<128xi32, #tpu.memory_space<vmem>>
        %dma_start3A_303 = arith.constant 0 : i32
        %dma_start3A_304 = arith.constant 0 : i32
        %dma_start3A_305 = tpu.memref_slice %arg3[%dma_start3A_303, %dma_start3A_304] : memref<1048576x64xf32, #tpu.memory_space<hbm>> -> memref<1048576x64xf32, #tpu.memory_space<hbm>>
        tpu.enqueue_indirect_dma source(%dma_start3A_305 : memref<1048576x64xf32, #tpu.memory_space<hbm>>) target(%dma_start3A_299 : memref<128x64xf32, #tpu.memory_space<vmem>>) offsets(%dma_start3A_302 : memref<128xi32, #tpu.memory_space<vmem>>) semaphore(%arg10 : memref<!tpu.dma_semaphore, #tpu.memory_space<semaphore_mem>>)
      } else {
      }
    }
    %scan3A_52 = arith.constant 20 : i32
    %dma_wait3A = arith.constant 0 : i32
    %dma_wait3A_53 = arith.constant 76 : i32
    %dma_wait3A_54 = arith.constant 0 : i32
    %dma_wait3A_55 = arith.constant 0 : i32
    %dma_wait3A_56 = tpu.memref_slice %arg6[%dma_wait3A, %dma_wait3A_54, %dma_wait3A_55] : memref<4x128x64xf32, #tpu.memory_space<vmem>> -> memref<1x128x64xf32, #tpu.memory_space<vmem>>
    %dma_wait3A_57 = tpu.memref_squeeze %dma_wait3A_56 : memref<1x128x64xf32, #tpu.memory_space<vmem>> -> memref<128x64xf32, #tpu.memory_space<vmem>>
    %dma_wait3A_58 = arith.constant 0 : i32
    %dma_wait3A_59 = arith.constant 0 : i32
    %dma_wait3A_60 = tpu.memref_slice %arg4[%add3A, %dma_wait3A_53, %dma_wait3A_58, %dma_wait3A_59] : memref<32x80x128x64xf32, #tpu.memory_space<hbm>> -> memref<1x1x128x64xf32, #tpu.memory_space<hbm>>
    %dma_wait3A_61 = tpu.memref_squeeze %dma_wait3A_60 : memref<1x1x128x64xf32, #tpu.memory_space<hbm>> -> memref<128x64xf32, #tpu.memory_space<hbm>>
    %dma_wait3A_62 = arith.constant 0 : i32
    %dma_wait3A_63 = arith.constant 0 : i32
    %dma_wait3A_64 = tpu.memref_slice %arg4[%add3A, %dma_wait3A_53, %dma_wait3A_62, %dma_wait3A_63] : memref<32x80x128x64xf32, #tpu.memory_space<hbm>> -> memref<1x1x128x64xf32, #tpu.memory_space<hbm>>
    %dma_wait3A_65 = tpu.memref_squeeze %dma_wait3A_64 : memref<1x1x128x64xf32, #tpu.memory_space<hbm>> -> memref<128x64xf32, #tpu.memory_space<hbm>>
    %dma_wait3A_66 = arith.constant 0 : i32
    %dma_wait3A_67 = arith.constant 0 : i32
    %dma_wait3A_68 = tpu.memref_slice %arg6[%dma_wait3A, %dma_wait3A_66, %dma_wait3A_67] : memref<4x128x64xf32, #tpu.memory_space<vmem>> -> memref<1x128x64xf32, #tpu.memory_space<vmem>>
    %dma_wait3A_69 = tpu.memref_squeeze %dma_wait3A_68 : memref<1x128x64xf32, #tpu.memory_space<vmem>> -> memref<128x64xf32, #tpu.memory_space<vmem>>
    tpu.wait_dma2 semaphore(%arg11 : memref<!tpu.dma_semaphore, #tpu.memory_space<semaphore_mem>>) src(%dma_wait3A_69 : memref<128x64xf32, #tpu.memory_space<vmem>>) dst(%dma_wait3A_65 : memref<128x64xf32, #tpu.memory_space<hbm>>)
    %dma_wait3A_70 = arith.constant 1 : i32
    %dma_wait3A_71 = arith.constant 77 : i32
    %dma_wait3A_72 = arith.constant 0 : i32
    %dma_wait3A_73 = arith.constant 0 : i32
    %dma_wait3A_74 = tpu.memref_slice %arg6[%dma_wait3A_70, %dma_wait3A_72, %dma_wait3A_73] : memref<4x128x64xf32, #tpu.memory_space<vmem>> -> memref<1x128x64xf32, #tpu.memory_space<vmem>>
    %dma_wait3A_75 = tpu.memref_squeeze %dma_wait3A_74 : memref<1x128x64xf32, #tpu.memory_space<vmem>> -> memref<128x64xf32, #tpu.memory_space<vmem>>
    %dma_wait3A_76 = arith.constant 0 : i32
    %dma_wait3A_77 = arith.constant 0 : i32
    %dma_wait3A_78 = tpu.memref_slice %arg4[%add3A, %dma_wait3A_71, %dma_wait3A_76, %dma_wait3A_77] : memref<32x80x128x64xf32, #tpu.memory_space<hbm>> -> memref<1x1x128x64xf32, #tpu.memory_space<hbm>>
    %dma_wait3A_79 = tpu.memref_squeeze %dma_wait3A_78 : memref<1x1x128x64xf32, #tpu.memory_space<hbm>> -> memref<128x64xf32, #tpu.memory_space<hbm>>
    %dma_wait3A_80 = arith.constant 0 : i32
    %dma_wait3A_81 = arith.constant 0 : i32
    %dma_wait3A_82 = tpu.memref_slice %arg4[%add3A, %dma_wait3A_71, %dma_wait3A_80, %dma_wait3A_81] : memref<32x80x128x64xf32, #tpu.memory_space<hbm>> -> memref<1x1x128x64xf32, #tpu.memory_space<hbm>>
    %dma_wait3A_83 = tpu.memref_squeeze %dma_wait3A_82 : memref<1x1x128x64xf32, #tpu.memory_space<hbm>> -> memref<128x64xf32, #tpu.memory_space<hbm>>
    %dma_wait3A_84 = arith.constant 0 : i32
    %dma_wait3A_85 = arith.constant 0 : i32
    %dma_wait3A_86 = tpu.memref_slice %arg6[%dma_wait3A_70, %dma_wait3A_84, %dma_wait3A_85] : memref<4x128x64xf32, #tpu.memory_space<vmem>> -> memref<1x128x64xf32, #tpu.memory_space<vmem>>
    %dma_wait3A_87 = tpu.memref_squeeze %dma_wait3A_86 : memref<1x128x64xf32, #tpu.memory_space<vmem>> -> memref<128x64xf32, #tpu.memory_space<vmem>>
    tpu.wait_dma2 semaphore(%arg12 : memref<!tpu.dma_semaphore, #tpu.memory_space<semaphore_mem>>) src(%dma_wait3A_87 : memref<128x64xf32, #tpu.memory_space<vmem>>) dst(%dma_wait3A_83 : memref<128x64xf32, #tpu.memory_space<hbm>>)
    %dma_wait3A_88 = arith.constant 2 : i32
    %dma_wait3A_89 = arith.constant 78 : i32
    %dma_wait3A_90 = arith.constant 0 : i32
    %dma_wait3A_91 = arith.constant 0 : i32
    %dma_wait3A_92 = tpu.memref_slice %arg6[%dma_wait3A_88, %dma_wait3A_90, %dma_wait3A_91] : memref<4x128x64xf32, #tpu.memory_space<vmem>> -> memref<1x128x64xf32, #tpu.memory_space<vmem>>
    %dma_wait3A_93 = tpu.memref_squeeze %dma_wait3A_92 : memref<1x128x64xf32, #tpu.memory_space<vmem>> -> memref<128x64xf32, #tpu.memory_space<vmem>>
    %dma_wait3A_94 = arith.constant 0 : i32
    %dma_wait3A_95 = arith.constant 0 : i32
    %dma_wait3A_96 = tpu.memref_slice %arg4[%add3A, %dma_wait3A_89, %dma_wait3A_94, %dma_wait3A_95] : memref<32x80x128x64xf32, #tpu.memory_space<hbm>> -> memref<1x1x128x64xf32, #tpu.memory_space<hbm>>
    %dma_wait3A_97 = tpu.memref_squeeze %dma_wait3A_96 : memref<1x1x128x64xf32, #tpu.memory_space<hbm>> -> memref<128x64xf32, #tpu.memory_space<hbm>>
    %dma_wait3A_98 = arith.constant 0 : i32
    %dma_wait3A_99 = arith.constant 0 : i32
    %dma_wait3A_100 = tpu.memref_slice %arg4[%add3A, %dma_wait3A_89, %dma_wait3A_98, %dma_wait3A_99] : memref<32x80x128x64xf32, #tpu.memory_space<hbm>> -> memref<1x1x128x64xf32, #tpu.memory_space<hbm>>
    %dma_wait3A_101 = tpu.memref_squeeze %dma_wait3A_100 : memref<1x1x128x64xf32, #tpu.memory_space<hbm>> -> memref<128x64xf32, #tpu.memory_space<hbm>>
    %dma_wait3A_102 = arith.constant 0 : i32
    %dma_wait3A_103 = arith.constant 0 : i32
    %dma_wait3A_104 = tpu.memref_slice %arg6[%dma_wait3A_88, %dma_wait3A_102, %dma_wait3A_103] : memref<4x128x64xf32, #tpu.memory_space<vmem>> -> memref<1x128x64xf32, #tpu.memory_space<vmem>>
    %dma_wait3A_105 = tpu.memref_squeeze %dma_wait3A_104 : memref<1x128x64xf32, #tpu.memory_space<vmem>> -> memref<128x64xf32, #tpu.memory_space<vmem>>
    tpu.wait_dma2 semaphore(%arg13 : memref<!tpu.dma_semaphore, #tpu.memory_space<semaphore_mem>>) src(%dma_wait3A_105 : memref<128x64xf32, #tpu.memory_space<vmem>>) dst(%dma_wait3A_101 : memref<128x64xf32, #tpu.memory_space<hbm>>)
    %dma_wait3A_106 = arith.constant 3 : i32
    %dma_wait3A_107 = arith.constant 79 : i32
    %dma_wait3A_108 = arith.constant 0 : i32
    %dma_wait3A_109 = arith.constant 0 : i32
    %dma_wait3A_110 = tpu.memref_slice %arg6[%dma_wait3A_106, %dma_wait3A_108, %dma_wait3A_109] : memref<4x128x64xf32, #tpu.memory_space<vmem>> -> memref<1x128x64xf32, #tpu.memory_space<vmem>>
    %dma_wait3A_111 = tpu.memref_squeeze %dma_wait3A_110 : memref<1x128x64xf32, #tpu.memory_space<vmem>> -> memref<128x64xf32, #tpu.memory_space<vmem>>
    %dma_wait3A_112 = arith.constant 0 : i32
    %dma_wait3A_113 = arith.constant 0 : i32
    %dma_wait3A_114 = tpu.memref_slice %arg4[%add3A, %dma_wait3A_107, %dma_wait3A_112, %dma_wait3A_113] : memref<32x80x128x64xf32, #tpu.memory_space<hbm>> -> memref<1x1x128x64xf32, #tpu.memory_space<hbm>>
    %dma_wait3A_115 = tpu.memref_squeeze %dma_wait3A_114 : memref<1x1x128x64xf32, #tpu.memory_space<hbm>> -> memref<128x64xf32, #tpu.memory_space<hbm>>
    %dma_wait3A_116 = arith.constant 0 : i32
    %dma_wait3A_117 = arith.constant 0 : i32
    %dma_wait3A_118 = tpu.memref_slice %arg4[%add3A, %dma_wait3A_107, %dma_wait3A_116, %dma_wait3A_117] : memref<32x80x128x64xf32, #tpu.memory_space<hbm>> -> memref<1x1x128x64xf32, #tpu.memory_space<hbm>>
    %dma_wait3A_119 = tpu.memref_squeeze %dma_wait3A_118 : memref<1x1x128x64xf32, #tpu.memory_space<hbm>> -> memref<128x64xf32, #tpu.memory_space<hbm>>
    %dma_wait3A_120 = arith.constant 0 : i32
    %dma_wait3A_121 = arith.constant 0 : i32
    %dma_wait3A_122 = tpu.memref_slice %arg6[%dma_wait3A_106, %dma_wait3A_120, %dma_wait3A_121] : memref<4x128x64xf32, #tpu.memory_space<vmem>> -> memref<1x128x64xf32, #tpu.memory_space<vmem>>
    %dma_wait3A_123 = tpu.memref_squeeze %dma_wait3A_122 : memref<1x128x64xf32, #tpu.memory_space<vmem>> -> memref<128x64xf32, #tpu.memory_space<vmem>>
    tpu.wait_dma2 semaphore(%arg14 : memref<!tpu.dma_semaphore, #tpu.memory_space<semaphore_mem>>) src(%dma_wait3A_123 : memref<128x64xf32, #tpu.memory_space<vmem>>) dst(%dma_wait3A_119 : memref<128x64xf32, #tpu.memory_space<hbm>>)
    return
  }
}

</mosaic_0001>

<sc_bundles>
// kernel: _gather_sc.3.cloned.1.call-start
scs
__scs_entry_jumppad:
0x0: {  	(pc) =	sbr.rel $0x88, $3  }
0x1: {  	(tag) =	ssettag $0x0;
	lr =	simm.s32 $0x1  }
0x2: {  	[smem:$0x3F9F] =	sst lr;
	_ =	strace $0xD0000000  }
0x3: {  	_ = 	snop  }
0x4: {  	_ = 	snop  }
0x5: {  	_ = 	snop  }
0x6: {  	_ = 	snop  }
0x7: {  	_ = 	snop  }
__scs_overlays_trampoline_lowered:
0x8: {  	[smem:$0x3FAE] =	sst s0  }
0x9: {  	[smem:$0x3FAF] =	sst s1  }
0xa: {  	[smem:$0x3FB0] =	sst s2  }
0xb: {  	[smem:$0x3FB1] =	sst s3  }
0xc: {  	[smem:$0x3FB2] =	sst s4  }
0xd: {  	[smem:$0x3FB3] =	sst s5  }
0xe: {  	[smem:$0x3FB4] =	sst s6  }
0xf: {  	[smem:$0x3FB5] =	sst s7  }
0x10: {  	[smem:$0x3FB6] =	sst s8  }
0x11: {  	[smem:$0x3FB7] =	sst s9;
	s0 =	simm.s32 @!p0 $0x0  }
0x12: {  	s1 =	sld [smem:$0x3F9D];
	s0 =	simm.s32 @p0 $0x1  }
0x13: {  	[smem:$0x3FB8] =	sst s0;
	s0 =	simm.s32 @!p1 $0x0  }
0x14: {  	s2 =	sld [smem:$0x3F9C];
	s0 =	simm.s32 @p1 $0x1  }
0x15: {  	[smem:$0x3FB9] =	sst s0;
	s0 =	simm.s32 @!p2 $0x0  }
0x16: {  	s3 =	sld [smem:$0x3FDB];
	s0 =	simm.s32 @p2 $0x1  }
0x17: {  	s4 =	simm.s32 $0x1BF5;
	[smem:$0x3FBB] =	sst s0  }
0x18: {  	s0 =	sld [smem:$0x3F9E];
	_ =	swait.ge [sflag:s4], $0x0  }
0x19: {  	s7 =	sld [smem:$0x3F9F]  }
0x1a: {  	s8 =	sadd.s32 $0xFFFFE003, lr  }
0x1b: {  	s9 =	sadd.s32 $0xFFFFFEF7, lr;
	s5 =	simm.s32 $0xFFFFFFFF;
	p2 =	slt.u32 s8, $0xFFFFF086  }
0x1c: {  	p1 =	slt.u32 s9, $0xF7A;
	s5 =	simm.s32 @!p2 $0x0  }
0x1d: {  	s5 =	simm.s32 @p1 $0x1;
	p0 =	seq.s32 s7, s2  }
0x1e: {  	s7 =	smul.u32 @!p0 $0xF7A, s2;
	p2 =	seq.s32 @!p0 s5, $0x0  }
0x1f: {  	s9 =	smul.u32 $0xF7A, s1;
	s8 =	simm.s32 @!p0 $0x1BF5;
	p2 =	por !p2, p0  }
0x20: {  	[sflag:s8] =	ssyncset.s32 @!p0 $0xFFFFF086;
	s6 =	sadd.s32 @!p0 s3, s7;
	s7 =	simm.s32 @!p0 $0x108  }
0x21: {  	s3 =	sadd.s32 s3, s9;
	s6 =	sadd.s32 @!p0 $0x88, s6;
	s7 =	simm.s32 @p2 $0x1082  }
0x22: {  	[simem:s7], [sflag:s8] =	dma.local @!p0 [hbm:s6], $0xF7A  }
0x23: {  	s9 =	sor.u32 $0xD0000000, s2;
	s6 =	simm.s32 $0x108;
	_ =	swait.ge @!p0 [sflag:s8], $0x0  }
0x24: {  	s3 =	sadd.s32 $0x88, s3;
	s6 =	simm.s32 @!p1 $0x1082;
	[sflag:s4] =	ssyncset.s32 $0xFFFFF086  }
0x25: {  	[simem:s6], [sflag:s4] =	dma.local [hbm:s3], $0xF7A  }
0x26: {  	[smem:$0x3F9F] =	sst s1;
	(tag) =	ssettag s2;
	_ =	strace s9  }
0x27: {  	s1 =	sld [smem:$0x3FAF]  }
0x28: {  	s2 =	sld [smem:$0x3FB0]  }
0x29: {  	s4 =	sld [smem:$0x3FB2]  }
0x2a: {  	p0 =	seq.s32 s5, $0x0;
	s5 =	sld [smem:$0x3FB3]  }
0x2b: {  	s6 =	sld [smem:$0x3FB4]  }
0x2c: {  	s7 =	sld [smem:$0x3FB5]  }
0x2d: {  	s3 =	simm.s32 $0x108;
	s8 =	sld [smem:$0x3FB6]  }
0x2e: {  	s3 =	simm.s32 @!p0 $0x1082;
	s9 =	sld [smem:$0x3FB7]  }
0x2f: {  	lr =	sadd.s32 s0, s3;
	s0 =	sld [smem:$0x3FAE]  }
0x30: {  	s3 =	sld [smem:$0x3FB1]  }
0x31: {  	[smem:$0x3FBA] =	sst s10  }
0x32: {  	s10 =	sld [smem:$0x3FB8];
	_ =	sdelay $0x3  }
0x33: {  	p0 =	seq.s32 s10, $0x1;
	s10 =	sld [smem:$0x3FBA];
	_ =	sdelay $0x3  }
0x34: {  	[smem:$0x3FBA] =	sst s10  }
0x35: {  	s10 =	sld [smem:$0x3FB9];
	_ =	sdelay $0x3  }
0x36: {  	p1 =	seq.s32 s10, $0x1;
	s10 =	sld [smem:$0x3FBA];
	_ =	sdelay $0x3  }
0x37: {  	[smem:$0x3FBA] =	sst s10  }
0x38: {  	s10 =	sld [smem:$0x3FBB]  }
0x39: {  	_ = 	snop;
	(pc) =	sbr.ind lr, $3  }
0x3a: {  	_ = 	snop  }
0x3b: {  	_ = 	snop  }
0x3c: {  	p2 =	seq.s32 s10, $0x1;
	s10 =	sld [smem:$0x3FBA]  }
0x3d: {  	_ =	shalt  }
0x3e: {  	_ =	shalt  }
0x3f: {  	_ =	shalt  }
0x40: {  	_ =	shalt  }
0x41: {  	_ =	shalt  }
0x42: {  	_ =	shalt  }
0x43: {  	_ =	shalt  }
0x44: {  	_ =	shalt  }
0x45: {  	_ =	shalt  }
0x46: {  	_ =	shalt  }
0x47: {  	_ =	shalt  }
0x48: {  	_ =	shalt  }
0x49: {  	_ =	shalt  }
0x4a: {  	_ =	shalt  }
0x4b: {  	_ =	shalt  }
0x4c: {  	_ =	shalt  }
0x4d: {  	_ =	shalt  }
0x4e: {  	_ =	shalt  }
0x4f: {  	_ =	shalt  }
0x50: {  	_ =	shalt  }
0x51: {  	_ =	shalt  }
0x52: {  	_ =	shalt  }
0x53: {  	_ =	shalt  }
0x54: {  	_ =	shalt  }
0x55: {  	_ =	shalt  }
0x56: {  	_ =	shalt  }
0x57: {  	_ =	shalt  }
0x58: {  	_ =	shalt  }
0x59: {  	_ =	shalt  }
0x5a: {  	_ =	shalt  }
0x5b: {  	_ =	shalt  }
0x5c: {  	_ =	shalt  }
0x5d: {  	_ =	shalt  }
0x5e: {  	_ =	shalt  }
0x5f: {  	_ =	shalt  }
0x60: {  	_ =	shalt  }
0x61: {  	_ =	shalt  }
0x62: {  	_ =	shalt  }
0x63: {  	_ =	shalt  }
0x64: {  	_ =	shalt  }
0x65: {  	_ =	shalt  }
0x66: {  	_ =	shalt  }
0x67: {  	_ =	shalt  }
0x68: {  	_ =	shalt  }
0x69: {  	_ =	shalt  }
0x6a: {  	_ =	shalt  }
0x6b: {  	_ =	shalt  }
0x6c: {  	_ =	shalt  }
0x6d: {  	_ =	shalt  }
0x6e: {  	_ =	shalt  }
0x6f: {  	_ =	shalt  }
0x70: {  	_ =	shalt  }
0x71: {  	_ =	shalt  }
0x72: {  	_ =	shalt  }
0x73: {  	_ =	shalt  }
0x74: {  	_ =	shalt  }
0x75: {  	_ =	shalt  }
0x76: {  	_ =	shalt  }
0x77: {  	_ =	shalt  }
0x78: {  	_ =	shalt  }
0x79: {  	_ =	shalt  }
0x7a: {  	_ =	shalt  }
0x7b: {  	_ =	shalt  }
0x7c: {  	_ =	shalt  }
0x7d: {  	_ =	shalt  }
0x7e: {  	_ =	shalt  }
0x7f: {  	_ =	shalt  }
0x80: {  	_ =	shalt  }
0x81: {  	_ =	shalt  }
0x82: {  	_ =	shalt  }
0x83: {  	_ =	shalt  }
0x84: {  	_ =	shalt  }
0x85: {  	_ =	shalt  }
0x86: {  	_ =	shalt  }
0x87: {  	_ =	shalt  }
.Lfunc_end0:
.L_simem_size_0:
called_computation.1_lowered:
.L_overlay_start_0:
0x88: {  	s2 =	sld [smem:$0x3FD9]  }
0x89: {  	s3 =	sld [smem:$0x3FFE];
	_ =	sdelay $0x1  }
0x8a: {  	s1 =	srdreg.scid  }
0x8b: {  	s0 =	sand.u32 $0x1, s1  }
0x8c: {  	s17 =	sshll.u32 s0, $0xA;
	s2 =	sadd.s32 s3, s2  }
0x8d: {  	s2 =	sadd.s32 s2, s17  }
0x8e: {  	[smem:$0x3FC6] =	sst s2  }
0x8f: {  	_ = 	snop  }
0x90: {  	s2 =	sld [smem:$0x3FC9]  }
0x91: {  	s18 =	sld [smem:$0x3FD0];
	(tm) =	ssettm $0x1  }
0x92: {  	s4 =	sld [smem:$0x3FFB];
	_ =	sdelay $0x3  }
0x93: {  	_ =	strace s4  }
0x94: {  	s4 =	sld [smem:$0x3FFC];
	_ =	sdelay $0x3  }
0x95: {  	_ =	strace s4  }
0x96: {  	s4 =	sld [smem:$0x3FFD];
	_ =	sdelay $0x3  }
0x97: {  	_ =	strace s4  }
0x98: {  	_ =	strace $0x8FFFFFFF  }
0x99: {  	s19 =	sld [smem:$0x3FDB];
	_ =	sdelay $0x1  }
0x9a: {  	s5 =	simm.s32 $_scs_section_size  }
0x9b: {  	s6 =	simm.s32 $_size__tile_overlayer_lowered;
	s7 =	simm.s32 $_tile_overlayer_lowered  }
0x9c: {  	s22 =	simm.s32 $0x1BFF;
	s21 =	sshll.u32 s7, $0x1;
	s4 =	sadd.s32 s5, s19  }
0x9d: {  	s8 =	simm.s32 $0x0;
	s20 =	sshll.u32 s6, $0x1;
	s6 =	sadd.s32 s21, s4  }
0x9e: {  	[timem:s8], [sflag:s22] =	dma.local [hbm:s6], s20  }
0x9f: {  	_ =	swait.ge [sflag:s22], s20  }
0xa0: {  	s5 =	ssub.s32 $0x0, s20;
	[sflag:s22] =	ssyncset.done $0x0  }
0xa1: {  	[sflag:s22] =	ssyncadd.s32 s5;
	_ =	sdelay $0x1  }
0xa2: {  	s23 =	simm.s32 $0x1B8B  }
0xa3: {  	_ =	swait.ge [sflag:s23], $0x1  }
0xa4: {  	[sflag:s23] =	ssyncset.done $0x0  }
0xa5: {  	s25 =	simm.s32 $0x1B8E;
	s24 =	sld [smem:$0x3FFE];
	[sflag:s23] =	ssyncadd.s32 $0xFFFFFFFF  }
0xa6: {  	s26 =	simm.s32 $execute0_lowered;
	[smem:$0x3FD2] =	sst s25  }
0xa7: {  	s6 =	sshll.u32 s26, $0x1;
	_ =	strace $0x80000046;
	[dreg:$0x1] =	wrdreg $0xFFFFFFFF  }
0xa8: {  	s28 =	simm.s32 $_size_execute0_lowered;
	s4 =	sadd.s32 s4, s6;
	[dreg:$0x0] =	wrdreg $0x0  }
0xa9: {  	s6 =	sshll.u32 s28, $0x1;
	[dreg:$0x2] =	wrdreg s4  }
0xaa: {  	[dreg:$0x3] =	wrdreg s6  }
0xab: {  	[dreg:$0x4] =	wrdreg $0xC0  }
0xac: {  	_ =	task [dreg:s8], $0x5FFFF  }
0xad: {  	[dreg:$0x1] =	wrdreg $0xFFFFFFFF  }
0xae: {  	[dreg:$0x0] =	wrdreg $0x60  }
0xaf: {  	[dreg:$0x2] =	wrdreg s2  }
0xb0: {  	[dreg:$0x3] =	wrdreg s24  }
0xb1: {  	[dreg:$0x4] =	wrdreg s18  }
0xb2: {  	[dreg:$0x5] =	wrdreg $0x9  }
0xb3: {  	_ =	task.clear_ibuf [dreg:s8], $0x6FFFF;
	_ =	strace $0x90000046  }
0xb4: {  	s29 =	simm.s32 $0x9;
	_ =	strace $0x80000048  }
0xb5: {  	_ =	swait.ge [sflag:s29], $0x1  }
0xb6: {  	[sflag:s29] =	ssyncadd.s32 $0xFFFFFFFF  }
0xb7: {  	_ =	strace $0x90000048  }
0xb8: {  	_ =	sfence  }
0xb9: {  	s30 =	sld [smem:$0x0];
	_ =	sdelay $0x2  }
0xba: {  	s31 =	sshll.u32 s1, $0xD;
	s1 =	sshrl.u32 s1, $0x2  }
0xbb: {  	s3 =	sand.u32 $0x4000, s31;
	s1 =	sadd.s32 s1, s30  }
0xbc: {  	s0 =	sor.u32 s3, s0;
	s1 =	sshll.u32 s1, $0x11  }
0xbd: {  	s0 =	sor.u32 s1, s0  }
0xbe: {  	s0 =	sadd.s32 $0x8F2B, s0  }
0xbf: {  	[sflag:s0] =	ssyncadd.remote.s32 $0x1  }
0xc0: {  	_ =	sfence.sel $0xFFFF  }
0xc1: {  	[dreg:$0x0] =	wrdreg $0xFFFFFFFF;
	(pc) =	sbr.abs _section_cstart, $3  }
0xc2: {  	[dreg:$0x1] =	wrdreg $0xFFFFFFFF  }
0xc3: {  	_ =	task.clear_ibuf [dreg:s8], $0x2FFFF;
	_ =	strace $0x9FFFFFFF  }
0xc4: {  	(tm) =	ssettm $0x7FFFFFFF  }
0xc5: {  	_ =	shalt  }
tec
execute0_lowered:
.L_overlay_start_1:
0x0: {  	(tag) =	ssettag $0x1  }
0x1: {  	s4 =	rddreg [dreg:$0x0]  }
0x2: {  	s1 =	srdreg.scid;
	s5 =	rddreg [dreg:$0x1]  }
0x3: {  	s0 =	stileid.u32;
	s11 =	rddreg [dreg:$0x2]  }
0x4: {  	s2 =	simm.s32 $0x0;
	s14 =	simm.s32 $0x2800;
	s16 =	simm.s32 $0x100  }
0x5: {  	s17 =	simm.s32 $0x6800;
	s18 =	simm.s32 $0x180;
	s19 =	simm.s32 $0x8800  }
0x6: {  	s20 =	simm.s32 $0x1;
	s21 =	simm.s32 $0x3;
	s22 =	simm.s32 $0x4  }
0x7: {  	s23 =	simm.s32 $0x5;
	s24 =	simm.s32 $0x6;
	s28 =	simm.s32 $0x0  }
0x8: {  	s3 =	sand.u32 $0x1, s1;
	s25 =	sshll.u32 s0, $0x1;
	s9 =	smul.u32 $0x140000, s0  }
0x9: {  	[smem:$0x7FF] =	sst s2;
	s6 =	sor.u32 s3, s25;
	s12 =	smul.u32 $0xA0000, s3  }
0xa: {  	s8 =	ssub.s32 $0x2, s3;
	_ =	strace $0x80000047;
	s7 =	smul.u32 $0x500, s6  }
0xb: {  	s3 =	sadd.s32 $0x1000800, s5;
	s6 =	smul.u32 $0xA0000, s6;
	s10 =	sshrl.u32 s8, $0x1  }
0xc: {  	s25 =	simm.s32 $0x7;
	s26 =	ssub.s32 s8, s10;
	s30 =	sadd.s32 s12, s9  }
0xd: {  	s6 =	sshrl.u32 s6, $0x3;
	s4 =	sadd.s32 s4, s7;
	s5 =	smax.u32 s26, $0x1  }
0xe: {  	s31 =	sor.u32 $0x6000, s30;
	s9 =	sor.u32 $0x4000, s30;
	s12 =	sor.u32 $0x2000, s30  }
.Ltmp0:
0xf: {  	s13 =	sshrl.u32 s30, $0x3;
	s26 =	simm.s32 $0x8;
	(pc) =	sbr.rel .LBB2_1-.Ltmp0, $4  }
0x10: {  	s29 =	sadd.s32 s11, s6;
	s8 =	sshrl.u32 s31, $0x3;
	s9 =	sshrl.u32 s9, $0x3  }
0x11: {  	s12 =	sshrl.u32 s12, $0x3;
	s6 =	sadd.s32 $0x13400, s29;
	s7 =	sadd.s32 $0x13C00, s29  }
0x12: {  	s8 =	sadd.s32 s8, s11;
	s9 =	sadd.s32 s9, s11;
	s10 =	sadd.s32 s12, s11  }
0x13: {  	s11 =	sadd.s32 s13, s11;
	s12 =	simm.s32 $0x9;
	s13 =	simm.s32 $0x80  }
.LBB2_4:
0x14: {  	_ =	swait.ge [sflag:s22], $0x2000  }
0x15: {  	[sflag:s22] =	ssyncset.done $0x0  }
0x16: {  	[sflag:s22] =	ssyncadd.s32 $0xFFFFE000  }
0x17: {  	[hbm4b:s7+s2] =	stream.linear.scatter [tilespmem:s19], [sflag:$0x8], $0x2000, $0x38;
	[tilespmem:$0xA800] =	vst v63  }
0x18: {  	_ =	swait.ge [sflag:s23], $0x2000  }
0x19: {  	[sflag:s23] =	ssyncset.done $0x0  }
0x1a: {  	[sflag:s23] =	ssyncadd.s32 $0xFFFFE000  }
0x1b: {  	_ =	swait.ge [sflag:s24], $0x2000  }
0x1c: {  	[sflag:s24] =	ssyncset.done $0x0  }
0x1d: {  	s28 =	sadd.s32 $0x1, s28;
	[sflag:s24] =	ssyncadd.s32 $0xFFFFE000  }
0x1e: {  	p0 =	sne.s32 s28, s5;
	_ =	swait.ge [sflag:s25], $0x2000  }
.Ltmp1:
0x1f: {  	[sflag:s25] =	ssyncset.done $0x0;
	(pc) =	sbr.rel @!p0 .LBB2_5-.Ltmp1, $4  }
0x20: {  	[sflag:s25] =	ssyncadd.s32 $0xFFFFE000  }
0x21: {  	_ =	swait.ge [sflag:s26], $0x2000  }
0x22: {  	[sflag:s26] =	ssyncset.done $0x0  }
0x23: {  	[sflag:s26] =	ssyncadd.s32 $0xFFFFE000  }
.LBB2_1:
0x24: {  	[tilespmem:s2], [sflag:$0x9] =	stream.linear.gather [hbm4b:s4+s2], $0x2800, $0x38;
	[tilespmem:$0xA800] =	vst v63  }
0x25: {  	_ =	swait.ge [sflag:s12], $0x2800  }
0x26: {  	[sflag:s12] =	ssyncset.done $0x0  }
0x27: {  	[sflag:s12] =	ssyncadd.s32 $0xFFFFD800  }
0x28: {  	[tilespmem:s14], [sflag:$0x1] =	stream.indirect.gather [hbm4b:s3+s13], $0x40, s2, s13, $0xb8;
	[tilespmem:$0xA800] =	vst v63  }
0x29: {  	s0 =	simm.s32 $0x4800  }
0x2a: {  	[tilespmem:s0], [sflag:$0x2] =	stream.indirect.gather [hbm4b:s3+s13], $0x40, s13, s13, $0xb8;
	[tilespmem:$0xA800] =	vst v63  }
0x2b: {  	_ = 	snop  }
0x2c: {  	[tilespmem:s17], [sflag:$0x3] =	stream.indirect.gather [hbm4b:s3+s13], $0x40, s16, s13, $0xb8;
	[tilespmem:$0xA800] =	vst v63  }
0x2d: {  	s29 =	simm.s32 $0x380;
	s30 =	simm.s32 $0x0  }
0x2e: {  	[tilespmem:s19], [sflag:$0x4] =	stream.indirect.gather [hbm4b:s3+s13], $0x40, s18, s13, $0xb8;
	[tilespmem:$0xA800] =	vst v63  }
.LBB2_2:
0x2f: {  	_ =	swait.ge [sflag:s20], $0x2000  }
0x30: {  	[sflag:s20] =	ssyncset.done $0x0  }
0x31: {  	s31 =	sadd.s32 s30, s11;
	p0 =	seq.s32 s30, $0x13000;
	[sflag:s20] =	ssyncadd.s32 $0xFFFFE000  }
0x32: {  	[hbm4b:s31+s2] =	stream.linear.scatter [tilespmem:s14], [sflag:$0x5], $0x2000, $0x38;
	[tilespmem:$0xA800] =	vst v63  }
0x33: {  	s31 =	simm.s32 @p0 $0x2  }
0x34: {  	_ =	swait.ge @p0 [sflag:s31], $0x2000  }
0x35: {  	[sflag:s31] =	ssyncset.done @p0 $0x0  }
0x36: {  	s1 =	simm.s32 @p0 $0x4800;
	[sflag:s31] =	ssyncadd.s32 @p0 $0xFFFFE000;
	s31 =	simm.s32 @p0 $0x0  }
0x37: {  	[hbm4b:s6+s31] =	stream.linear.scatter @p0 [tilespmem:s1], [sflag:$0x6], $0x2000, $0x38;
	[tilespmem:$0xA800] =	vst v63  }
0x38: {  	s1 =	simm.s32 @!p0 $0x5  }
0x39: {  	_ =	swait.ge @!p0 [sflag:s1], $0x2000  }
0x3a: {  	s0 =	simm.s32 @!p0 $0x2800;
	[sflag:s1] =	ssyncset.done @!p0 $0x0  }
0x3b: {  	s31 =	simm.s32 @!p0 $0x80;
	[sflag:s1] =	ssyncadd.s32 @!p0 $0xFFFFE000;
	s1 =	sadd.s32 @!p0 $0xFFFFFE80, s29  }
0x3c: {  	[tilespmem:s0], [sflag:$0x1] =	stream.indirect.gather @!p0 [hbm4b:s3+s31], $0x40, s1, s31, $0xb8;
	[tilespmem:$0xA800] =	vst v63  }
0x3d: {  	s0 =	simm.s32 @!p0 $0x2  }
0x3e: {  	_ =	swait.ge @!p0 [sflag:s0], $0x2000  }
0x3f: {  	s15 =	simm.s32 @!p0 $0x4800;
	[sflag:s0] =	ssyncset.done @!p0 $0x0  }
0x40: {  	s1 =	simm.s32 @!p0 $0x0;
	[sflag:s0] =	ssyncadd.s32 @!p0 $0xFFFFE000;
	s0 =	sadd.s32 @!p0 s30, s10  }
0x41: {  	[hbm4b:s0+s1] =	stream.linear.scatter @!p0 [tilespmem:s15], [sflag:$0x6], $0x2000, $0x38;
	[tilespmem:$0xA800] =	vst v63  }
0x42: {  	s0 =	simm.s32 @!p0 $0x6  }
0x43: {  	_ =	swait.ge @!p0 [sflag:s0], $0x2000  }
0x44: {  	[sflag:s0] =	ssyncset.done @!p0 $0x0  }
0x45: {  	[sflag:s0] =	ssyncadd.s32 @!p0 $0xFFFFE000;
	s0 =	sadd.s32 @!p0 $0xFFFFFF00, s29  }
0x46: {  	[tilespmem:s15], [sflag:$0x2] =	stream.indirect.gather @!p0 [hbm4b:s3+s31], $0x40, s0, s31, $0xb8;
	[tilespmem:$0xA800] =	vst v63  }
.Ltmp2:
0x47: {  	_ = 	snop;
	(pc) =	sbr.rel @p0 .LBB2_4-.Ltmp2, $4  }
0x48: {  	_ =	swait.ge [sflag:s21], $0x2000  }
0x49: {  	[sflag:s21] =	ssyncset.done $0x0  }
0x4a: {  	s31 =	sadd.s32 s30, s9;
	[sflag:s21] =	ssyncadd.s32 $0xFFFFE000  }
0x4b: {  	[hbm4b:s31+s2] =	stream.linear.scatter [tilespmem:s17], [sflag:$0x7], $0x2000, $0x38;
	[tilespmem:$0xA800] =	vst v63  }
0x4c: {  	_ =	swait.ge [sflag:s25], $0x2000  }
0x4d: {  	[sflag:s25] =	ssyncset.done $0x0  }
0x4e: {  	s0 =	sadd.s32 $0xFFFFFF80, s29;
	[sflag:s25] =	ssyncadd.s32 $0xFFFFE000  }
0x4f: {  	[tilespmem:s17], [sflag:$0x3] =	stream.indirect.gather [hbm4b:s3+s13], $0x40, s0, s13, $0xb8;
	[tilespmem:$0xA800] =	vst v63  }
0x50: {  	_ =	swait.ge [sflag:s22], $0x2000  }
0x51: {  	[sflag:s22] =	ssyncset.done $0x0  }
0x52: {  	s31 =	sadd.s32 s30, s8;
	[sflag:s22] =	ssyncadd.s32 $0xFFFFE000  }
0x53: {  	[hbm4b:s31+s2] =	stream.linear.scatter [tilespmem:s19], [sflag:$0x8], $0x2000, $0x38;
	[tilespmem:$0xA800] =	vst v63  }
.Ltmp3:
0x54: {  	_ =	swait.ge [sflag:s26], $0x2000;
	(pc) =	sbr.rel .LBB2_2-.Ltmp3, $4  }
0x55: {  	[sflag:s26] =	ssyncset.done $0x0  }
0x56: {  	[sflag:s26] =	ssyncadd.s32 $0xFFFFE000  }
0x57: {  	[tilespmem:s19], [sflag:$0x4] =	stream.indirect.gather [hbm4b:s3+s13], $0x40, s29, s13, $0xb8;
	[tilespmem:$0xA800] =	vst v63  }
0x58: {  	s30 =	sadd.s32 $0x1000, s30;
	s29 =	sadd.s32 $0x200, s29  }
.LBB2_5:
0x59: {  	_ =	sfence.sel $0x180000  }
0x5a: {  	[bflag:$0x0] =	sbarrier.arrive $0xFFFF  }
0x5b: {  	_ =	strace $0x90000047  }
0x5c: {  	s0 =	stileid.u32;
	[bflag:$0x2] =	sbarrier.arrive $0xFFFF  }
0x5d: {  	p0 =	sne.s32 s0, $0x0;
	s0 =	rddreg [dreg:$0x3]  }
0x5e: {  	s0 =	sadd.s32 @!p0 $0x100000, s0  }
0x5f: {  	[sflag:s0] =	ssyncadd.tile.s32 @!p0 $0x1;
	_ =	shalt  }
.Lfunc_end2:
_tile_overlayer_lowered:
.L_overlay_start_2:
0x60: {  	(tag) =	ssettag $0x2  }
0x61: {  	s0 =	rddreg [dreg:$0x0];
	s2 =	stileid.u32  }
0x62: {  	s1 =	rddreg [dreg:$0x1];
	p0 =	sne.s32 s2, $0x0  }
0x63: {  	s3 =	rddreg [dreg:$0x2];
	[bflag:$0x3] =	sbarrier.arrive $0xFFFF;
	s2 =	simm.s32 @!p0 $0x1C09  }
0x64: {  	[timem:s3], [sflag:s2] =	dma.local @!p0 [hbm:s0], s1  }
0x65: {  	s0 =	simm.s32 @!p0 $0x9  }
0x66: {  	_ =	swait.ge @!p0 [sflag:s0], s1  }
0x67: {  	s1 =	ssub.s32 @!p0 $0x0, s1;
	[sflag:s0] =	ssyncset.done @!p0 $0x0  }
0x68: {  	[sflag:s0] =	ssyncadd.s32 @!p0 s1  }
0x69: {  	[bflag:$0x3] =	sbarrier.arrive $0xFFFF  }
0x6a: {  	_ =	shalt  }

// kernel: sparse-core-data-format-call.cloned.1.call-start
scs
called_computation_lowered:
.L_overlay_start_0:
0x0: {  	s2 =	sld [smem:$0x3FD9]  }
0x1: {  	s3 =	sld [smem:$0x3FFE];
	_ =	sdelay $0x1  }
0x2: {  	s1 =	srdreg.scid  }
0x3: {  	s0 =	sand.u32 $0x1, s1  }
0x4: {  	s18 =	sshll.u32 s0, $0xA;
	s2 =	sadd.s32 s3, s2  }
0x5: {  	s2 =	sadd.s32 s2, s18  }
0x6: {  	[smem:$0x3FC6] =	sst s2  }
0x7: {  	_ = 	snop  }
0x8: {  	s2 =	sld [smem:$0x3FD0];
	(tm) =	ssettm $0x1  }
0x9: {  	s19 =	sld [smem:$0x3FFB];
	_ =	sdelay $0x3  }
0xa: {  	_ =	strace s19  }
0xb: {  	s3 =	sld [smem:$0x3FFC];
	_ =	sdelay $0x3  }
0xc: {  	_ =	strace s3  }
0xd: {  	s3 =	sld [smem:$0x3FFD];
	_ =	sdelay $0x3  }
0xe: {  	_ =	strace s3  }
0xf: {  	_ =	strace $0x8FFFFFFF  }
0x10: {  	s20 =	sld [smem:$0x3FDB];
	_ =	sdelay $0x1  }
0x11: {  	s4 =	simm.s32 $_scs_section_size  }
0x12: {  	s5 =	simm.s32 $_size__tile_overlayer_lowered;
	s6 =	simm.s32 $_tile_overlayer_lowered  }
0x13: {  	s23 =	simm.s32 $0x1BFF;
	s22 =	sshll.u32 s6, $0x1;
	s3 =	sadd.s32 s4, s20  }
0x14: {  	s7 =	simm.s32 $0x0;
	s21 =	sshll.u32 s5, $0x1;
	s5 =	sadd.s32 s22, s3  }
0x15: {  	[timem:s7], [sflag:s23] =	dma.local [hbm:s5], s21  }
0x16: {  	_ =	swait.ge [sflag:s23], s21  }
0x17: {  	s4 =	ssub.s32 $0x0, s21;
	[sflag:s23] =	ssyncset.done $0x0  }
0x18: {  	[sflag:s23] =	ssyncadd.s32 s4;
	_ =	sdelay $0x1  }
0x19: {  	s24 =	simm.s32 $0x1B8B  }
0x1a: {  	_ =	swait.ge [sflag:s24], $0x1  }
0x1b: {  	[sflag:s24] =	ssyncset.done $0x0  }
0x1c: {  	s26 =	simm.s32 $0x1B8E;
	s25 =	sld [smem:$0x3FFE];
	[sflag:s24] =	ssyncadd.s32 $0xFFFFFFFF  }
0x1d: {  	s27 =	simm.s32 $execute0_lowered;
	[smem:$0x3FD2] =	sst s26  }
0x1e: {  	s5 =	sshll.u32 s27, $0x1;
	_ =	strace $0x80000049;
	[dreg:$0x1] =	wrdreg $0xFFFFFFFF  }
0x1f: {  	s28 =	simm.s32 $_size_execute0_lowered;
	s3 =	sadd.s32 s3, s5;
	[dreg:$0x0] =	wrdreg $0x0  }
0x20: {  	s5 =	sshll.u32 s28, $0x1;
	[dreg:$0x2] =	wrdreg s3  }
0x21: {  	[dreg:$0x3] =	wrdreg s5  }
0x22: {  	[dreg:$0x4] =	wrdreg $0xC0  }
0x23: {  	_ =	task [dreg:s7], $0x5FFFF  }
0x24: {  	[dreg:$0x1] =	wrdreg $0xFFFFFFFF  }
0x25: {  	[dreg:$0x0] =	wrdreg $0x60  }
0x26: {  	[dreg:$0x2] =	wrdreg s25  }
0x27: {  	[dreg:$0x3] =	wrdreg s2  }
0x28: {  	[dreg:$0x4] =	wrdreg $0x9  }
0x29: {  	_ =	task.clear_ibuf [dreg:s7], $0x5FFFF;
	_ =	strace $0x90000049  }
0x2a: {  	s29 =	simm.s32 $0x9;
	_ =	strace $0x8000004B  }
0x2b: {  	_ =	swait.ge [sflag:s29], $0x1  }
0x2c: {  	[sflag:s29] =	ssyncadd.s32 $0xFFFFFFFF  }
0x2d: {  	_ =	strace $0x9000004B  }
0x2e: {  	_ =	sfence  }
0x2f: {  	s30 =	sld [smem:$0x0];
	_ =	sdelay $0x2  }
0x30: {  	s31 =	sshll.u32 s1, $0xD;
	s1 =	sshrl.u32 s1, $0x2  }
0x31: {  	s3 =	sand.u32 $0x4000, s31;
	s1 =	sadd.s32 s1, s30  }
0x32: {  	s0 =	sor.u32 s3, s0;
	s1 =	sshll.u32 s1, $0x11  }
0x33: {  	s0 =	sor.u32 s1, s0  }
0x34: {  	s0 =	sadd.s32 $0x8F2B, s0  }
0x35: {  	[sflag:s0] =	ssyncadd.remote.s32 $0x1  }
0x36: {  	_ =	sfence.sel $0xFFFF  }
0x37: {  	[dreg:$0x0] =	wrdreg $0xFFFFFFFF;
	(pc) =	sbr.abs _section_cstart, $3  }
0x38: {  	[dreg:$0x1] =	wrdreg $0xFFFFFFFF  }
0x39: {  	_ =	task.clear_ibuf [dreg:s7], $0x2FFFF;
	_ =	strace $0x9FFFFFFF  }
0x3a: {  	(tm) =	ssettm $0x7FFFFFFF  }
0x3b: {  	_ =	shalt  }
tec
execute0_lowered:
.L_overlay_start_1:
0x0: {  	(tag) =	ssettag $0x1  }
0x1: {  	s4 =	rddreg [dreg:$0x0]  }
0x2: {  	s2 =	rddreg [dreg:$0x1]  }
0x3: {  	s0 =	rddreg [dreg:$0x2];
	_ =	strace $0x8000004A  }
0x4: {  	s3 =	srdreg.scid;
	s1 =	stileid.u32;
	s6 =	simm.s32 $0x2  }
.Ltmp0:
0x5: {  	p0 =	por $0x0, $0x0;
	s10 =	simm.s32 $0x0;
	(pc) =	sbr.rel .LBB1_1-.Ltmp0, $4  }
0x6: {  	s11 =	simm.s32 $0x0;
	s8 =	simm.s32 $0x0;
	s5 =	sshll.u32 s3, $0x4  }
0x7: {  	s7 =	simm.s32 $0x0;
	s3 =	simm.s32 $0x1;
	s5 =	sand.u32 $0x10, s5  }
0x8: {  	s4 =	sadd.s32 $0x800, s4;
	[sflag:s3] =	ssyncpa.u1 $0x0;
	s5 =	sor.u32 s1, s5  }
0x9: {  	[sflag:s6] =	ssyncpa.u1 $0x0;
	s6 =	simm.s32 $0x0;
	s9 =	smov.u32 s5  }
.LBB1_7:
0xa: {  	s12 =	sadd.s32 $0x2, s8  }
0xb: {  	s10 =	sadd.s32 $0x20, s9;
	s14 =	smov.u32 s9;
	p2 =	sgt.s32 s12, $0x4F  }
0xc: {  	p1 =	slt.u32 s7, $0x2;
	s14 =	smov.u32 @p2 s10  }
0xd: {  	s7 =	sadd.s32 $0x1, s7;
	s12 =	simm.s32 @p2 $0x0;
	p2 =	sgt.s32 s14, $0x1F  }
0xe: {  	s14 =	smov.u32 @p2 s5;
	p2 =	sne.s32 s7, $0x2A  }
.Ltmp1:
0xf: {  	_ = 	snop;
	(pc) =	sbr.rel @!p2 .LBB1_8-.Ltmp1, $4  }
0x10: {  	s13 =	simm.s32 @!p1 $0x2  }
0x11: {  	s11 =	smov.u32 s9;
	_ =	swait.ge @!p1 [sflag:s13], $0x4000  }
0x12: {  	p0 =	por !p0, !p0;
	s10 =	smov.u32 s8;
	[sflag:s13] =	ssyncset.done @!p1 $0x0  }
0x13: {  	s8 =	smov.u32 s12;
	[sflag:s13] =	ssyncadd.s32 @!p1 $0xFFFFC000;
	s9 =	smov.u32 s14  }
.LBB1_1:
0x14: {  	p1 =	sgt.u32 s7, $0x27  }
0x15: {  	s13 =	smul.u32 @!p1 $0x28000, s9  }
0x16: {  	s12 =	sxor.u32 @!p1 $0xFFFFFFFF, s7;
	s14 =	sshll.u32 @!p1 s8, $0xB  }
0x17: {  	s15 =	simm.s32 @!p1 $0x80;
	s12 =	sshll.u32 @!p1 s12, $0xE;
	s13 =	sadd.s32 @!p1 s4, s13  }
0x18: {  	s12 =	sand.u32 @!p1 $0x4000, s12;
	s13 =	sadd.s32 @!p1 s14, s13;
	s14 =	simm.s32 @!p1 $0x40  }
0x19: {  	[tilespmem:s12], [sflag:$0x1] =	stream.strided.gather @!p1 [hbm4b:s13+s14], $0x4000, s15, s14, $0x38;
	[tilespmem:$0x10100] =	vst v63  }
0x1a: {  	p1 =	seq.s32 s7, $0x0  }
0x1b: {  	p2 =	seq.s32 @!p1 s7, $0x29  }
0x1c: {  	p1 =	por p1, p2  }
.Ltmp2:
0x1d: {  	_ = 	snop;
	(pc) =	sbr.rel @p1 .LBB1_7-.Ltmp2, $1  }
0x1e: {  	_ =	sdelay $0x3  }
0x1f: {  	s12 =	simm.s32 $0x1;
	s14 =	sand.u32 $0x1, s7  }
0x20: {  	_ =	swait.ge [sflag:s3], $0x4000;
	s12 =	simm.s32 @!p0 $0x0;
	s14 =	smul.u32 $0x10200, s14  }
0x21: {  	p2 =	por $0x1, $0x1;
	[sflag:s3] =	ssyncset.done $0x0;
	s13 =	smul.u32 $0x10200, s12  }
0x22: {  	s15 =	sshll.u32 s12, $0x10;
	[sflag:s3] =	ssyncadd.s32 $0xFFFFC000;
	s30 =	sshrl.u32 s14, $0x2  }
0x23: {  	s31 =	sshrl.u32 s15, $0x2;
	s15 =	simm.s32 $0x0;
	s13 =	sshrl.u32 s13, $0x2  }
0x24: {  	s12 =	sor.u32 $0x8000, s30;
	s14 =	sadd.s32 $0x20, s31;
	s13 =	sor.u32 $0x8000, s13  }
.LBB1_3:
0x25: {  	s16 =	sshll.u32 s15, $0xD  }
0x26: {  	s16 =	sand.u32 $0x3FFFE000, s16  }
0x27: {  	s18 =	sadd.s32 s16, s14  }
0x28: {  	s31 =	smul.u32 $0x8100, s15;
	v3 =	vld [tilespmem:s18+$0x10]  }
0x29: {  	v1 =	vld [tilespmem:s18+$0xFFFFFFF0]  }
0x2a: {  	s15 =	sshra.s32 s31, $0x2;
	v0 =	vld [tilespmem:s18+$0x0]  }
0x2b: {  	s15 =	sadd.s32 s15, s13;
	v2 =	vld [tilespmem:s18+$0xFFFFFFE0]  }
0x2c: {  	s16 =	sadd.s32 $0x0, s15  }
0x2d: {  	p1 =	por p2, p2;
	s17 =	simm.s32 $0x4;
	s18 =	sadd.s32 $0x40, s18;
	[tilespmem:s16+$0x1830 ss:$0x81] =	vst.msk $0xffff, v3  }
.LBB1_4:
0x2e: {  	v3 =	vld [tilespmem:s18+$0x10];
	p2 =	sne.s32 s17, $0x1FC;
	[tilespmem:s16+$0x810 ss:$0x81] =	vst.msk $0xffff, v1;
	s19 =	smov.u32 s17;
	s17 =	sadd.s32 $0x4, s17  }
.Ltmp3:
0x2f: {  	v1 =	vld [tilespmem:s18+$0xFFFFFFF0];
	[tilespmem:s16+$0x1020 ss:$0x81] =	vst.msk $0xffff, v0;
	(pc) =	sbr.rel @p2 .LBB1_4-.Ltmp3, $4  }
0x30: {  	v0 =	vld [tilespmem:s18+$0x0];
	[tilespmem:s16+$0x0 ss:$0x81] =	vst.msk $0xffff, v2  }
0x31: {  	s16 =	sshra.s32 s19, $0x2;
	v2 =	vld [tilespmem:s18+$0xFFFFFFE0]  }
0x32: {  	s16 =	sadd.s32 s16, s15  }
0x33: {  	s18 =	sadd.s32 $0x40, s18;
	[tilespmem:s16+$0x1830 ss:$0x81] =	vst.msk $0xffff, v3  }
.Ltmp4:
0x34: {  	(pc) =	sbr.rel @p1 .LBB1_3-.Ltmp4, $4  }
0x35: {  	_ = 	snop  }
0x36: {  	[tilespmem:s16+$0x810 ss:$0x81] =	vst.msk $0xffff, v1  }
0x37: {  	[tilespmem:s16+$0x1020 ss:$0x81] =	vst.msk $0xffff, v0  }
0x38: {  	s15 =	simm.s32 $0x1;
	p2 =	por $0x0, $0x0;
	[tilespmem:s16+$0x0 ss:$0x81] =	vst.msk $0xffff, v2  }
0x39: {  	s11 =	smul.u32 $0x14000, s11  }
.Ltmp5:
0x3a: {  	_ = 	snop;
	(pc) =	sbr.rel .LBB1_7-.Ltmp5, $4  }
0x3b: {  	_ = 	snop  }
0x3c: {  	s10 =	sshll.u32 s10, $0xA;
	s11 =	sadd.s32 s2, s11  }
0x3d: {  	s10 =	sadd.s32 s10, s11  }
0x3e: {  	[hbm4b:s10+s6] =	stream.linear.scatter [tilespmem:s12], [sflag:$0x2], $0x4000, $0x20;
	[tilespmem:$0x10100] =	vst v63  }
.LBB1_8:
0x3f: {  	_ =	sfence.sel $0x180000  }
0x40: {  	s2 =	simm.s32 $0x1;
	[bflag:$0x0] =	sbarrier.arrive $0xFFFF  }
0x41: {  	s31 =	simm.s32 $0x2;
	[sflag:s2] =	ssyncpa.u1 $0x1  }
0x42: {  	[sflag:s31] =	ssyncpa.u1 $0x1  }
0x43: {  	p0 =	sne.s32 s1, $0x0;
	_ =	strace $0x9000004A  }
0x44: {  	s0 =	sadd.s32 @!p0 $0x100000, s0;
	[bflag:$0x2] =	sbarrier.arrive $0xFFFF  }
0x45: {  	[sflag:s0] =	ssyncadd.tile.s32 @!p0 $0x1;
	_ =	shalt  }
.Lfunc_end1:
_tile_overlayer_lowered:
.L_overlay_start_2:
0x46: {  	(tag) =	ssettag $0x2  }
0x47: {  	s0 =	rddreg [dreg:$0x0];
	s2 =	stileid.u32  }
0x48: {  	s1 =	rddreg [dreg:$0x1];
	p0 =	sne.s32 s2, $0x0  }
0x49: {  	s3 =	rddreg [dreg:$0x2];
	[bflag:$0x3] =	sbarrier.arrive $0xFFFF;
	s2 =	simm.s32 @!p0 $0x1C01  }
0x4a: {  	[timem:s3], [sflag:s2] =	dma.local @!p0 [hbm:s0], s1  }
0x4b: {  	s0 =	simm.s32 @!p0 $0x1  }
0x4c: {  	_ =	swait.ge @!p0 [sflag:s0], s1  }
0x4d: {  	s1 =	ssub.s32 @!p0 $0x0, s1;
	[sflag:s0] =	ssyncset.done @!p0 $0x0  }
0x4e: {  	[sflag:s0] =	ssyncadd.s32 @!p0 s1  }
0x4f: {  	[bflag:$0x3] =	sbarrier.arrive $0xFFFF  }
0x50: {  	_ =	shalt  }

</sc_bundles>
